<compile_context>
chip_gen: v7x
topology: tpu7x:2x2x1
jax: 0.10.2.dev20260603
libtpu: 0.0.44.dev20260713+nightly
codegen_flags: <defaults>
</compile_context>

<pallas_src>
import functools

import jax
import jax.numpy as jnp
from jax import lax
from jax.experimental import pallas as pl
from jax.experimental.pallas import tpu as pltpu
from jax.experimental.pallas import tpu_sc as plsc

IN_SPACE = 1000000
DIM = 16
BATCH = 16384
HIST = 50

TOTAL = BATCH * HIST
G_PAD = 1 << 20
CBLK = 131072

NUM_WORKERS = 32
CHUNK = 128
PER_W = TOTAL // NUM_WORKERS
NCHUNK = PER_W // CHUNK
FIRE_K = 4


IDX_ROWS = TOTAL // CHUNK
IDX_PAD = 8192


def _stage1_body(x_ref, w_ref, b_ref, idxt_ref, o_ref, oidx_ref):
    x = x_ref[...]
    w = jnp.stack([w_ref[0, j] for j in range(DIM)]).reshape(1, DIM)
    y = lax.dot_general(w, x, (((1,), (0,)), ((), ())),
                        preferred_element_type=jnp.float32)
    o_ref[...] = jax.nn.sigmoid(y + b_ref[0]).reshape(CBLK)

    @pl.when(pl.program_id(0) == 0)
    def _():
        v = idxt_ref[...]
        oidx_ref[pl.ds(0, IDX_ROWS), :] = v.reshape(IDX_ROWS, CHUNK)


def _stage1(table_t, w, b, idx_t):
    return pl.pallas_call(
        _stage1_body,
        grid=(G_PAD // CBLK,),
        in_specs=[
            pl.BlockSpec((DIM, CBLK), lambda i: (0, i)),
            pl.BlockSpec(memory_space=pltpu.SMEM),
            pl.BlockSpec(memory_space=pltpu.SMEM),
            pl.BlockSpec((HIST, BATCH), lambda i: (0, 0)),
        ],
        out_specs=[
            pl.BlockSpec((CBLK,), lambda i: (i,)),
            pl.BlockSpec((IDX_PAD, CHUNK), lambda i: (0, 0)),
        ],
        out_shape=[
            jax.ShapeDtypeStruct((G_PAD,), jnp.float32),
            jax.ShapeDtypeStruct((IDX_PAD, CHUNK), jnp.int32),
        ],
    )(table_t, w, b, idx_t)


SLICE = G_PAD // 16


def _gather_body(g_hbm, idx_hbm, out_hbm, idx_v, vals_v, g_spmem, sem):
    cid = lax.axis_index("c")
    sid = lax.axis_index("s")
    wid = sid * 2 + cid
    idx_cp = pltpu.async_copy(idx_hbm.at[pl.ds(wid * NCHUNK, NCHUNK)],
                              idx_v, sem)
    pltpu.sync_copy(g_hbm.at[pl.ds(sid * SLICE, SLICE)],
                    g_spmem.at[pl.ds(sid * SLICE, SLICE)])
    idx_cp.wait()
    plsc.subcore_barrier()

    def fire(base):
        for t in range(FIRE_K):
            pltpu.async_copy(g_spmem.at[idx_v.at[base + t]],
                             vals_v.at[base + t], sem)

    def drain(base):
        for t in range(FIRE_K):
            pltpu.make_async_copy(g_hbm.at[idx_v.at[base + t]],
                                  vals_v.at[base + t], sem).wait()

    fire(0)
    fire(FIRE_K)

    def group(jo, carry):
        fire(jo * FIRE_K)
        drain((jo - 2) * FIRE_K)
        return carry

    lax.fori_loop(2, NCHUNK // FIRE_K, group, 0)
    drain(NCHUNK - 2 * FIRE_K)
    drain(NCHUNK - FIRE_K)
    pltpu.sync_copy(vals_v, out_hbm.at[wid])


_gather = functools.partial(
    pl.kernel,
    out_type=jax.ShapeDtypeStruct((NUM_WORKERS, NCHUNK, CHUNK), jnp.float32),
    mesh=plsc.VectorSubcoreMesh(core_axis_name="c", subcore_axis_name="s"),
    scratch_types=[
        pltpu.VMEM((NCHUNK, CHUNK), jnp.int32),
        pltpu.VMEM((NCHUNK, CHUNK), jnp.float32),
        pltpu.VMEM_SHARED((G_PAD,), jnp.float32),
        pltpu.SemaphoreType.DMA,
    ],
)(_gather_body)


@jax.jit
def kernel(indices, table, W, b):
    idx_t = indices.astype(jnp.int32).T
    g, idx2 = _stage1(table.T, W.T, b, idx_t)
    out3 = _gather(g, idx2)
    return out3.reshape(HIST, 1, BATCH).transpose(2, 0, 1)

# --- scband reference (transcript-rebuilt; emitter-appended) ---
"""Pipeline reference for scband-embedding-network2-67181878444289 (READ-ONLY COPY).

The authoritative reference and input builder live on the scoring server;
editing this copy changes nothing except your own understanding.
"""

import jax, jax.numpy as jnp
import numpy as np

IN_SPACE = 1000000
DIM = 16
BATCH = 16384
HIST = 50

def setup_inputs(seed: int = 0) -> dict:
    key = jax.random.key(seed)
    k1, k2, k3, k4 = jax.random.split(key, 4)
    indices = jax.random.randint(k1, (BATCH, HIST), 0, IN_SPACE, dtype=jnp.int64 if jax.config.jax_enable_x64 else jnp.int32)
    table = jax.random.normal(k2, (IN_SPACE, DIM), dtype=jnp.float32)
    W = jax.random.normal(k3, (DIM, 1), dtype=jnp.float32) * (1.0 / np.sqrt(DIM))
    b = jax.random.normal(k4, (1,), dtype=jnp.float32) * 0.01
    return {"indices": indices, "table": table, "W": W, "b": b}

def reference(indices, table, W, b):
    # nn.Embedding lookup
    emb = jnp.take(table, indices, axis=0)            # [B, L, DIM]
    # nn.Linear(dim, 1)
    logits = emb @ W + b                               # [B, L, 1]
    # nn.Sigmoid
    out = jax.nn.sigmoid(logits)
    return out

if __name__ == "__main__":
    import jax
    _d = setup_inputs()
    print(jax.jit(kernel)(*tuple(_d.values())))

</pallas_src>

<mosaic_0001>
#map = affine_map<(d0, d1) -> (0)>
#map1 = affine_map<(d0, d1) -> (0, 0)>
#map2 = affine_map<(d0, d1) -> (0, 0, 0)>
module attributes {stable_mosaic.version = 14 : i64} {
  func.func @_gather_body(%arg0: i32, %arg1: i32, %arg2: memref<1048576xf32, #tpu.memory_space<hbm>>, %arg3: memref<8192x128xi32, #tpu.memory_space<hbm>>, %arg4: memref<32x200x128xf32, #tpu.memory_space<hbm>>, %arg5: memref<200x128xi32, #tpu.memory_space<vmem>>, %arg6: memref<200x128xf32, #tpu.memory_space<vmem>>, %arg7: memref<1048576xf32, #tpu.memory_space<vmem_shared>>, %arg8: memref<!tpu.dma_semaphore, #tpu.memory_space<semaphore_mem>>) attributes {dimension_semantics = [#tpu.dimension_semantics<core_parallel>, #tpu.dimension_semantics<subcore_parallel>], iteration_bounds = array<i64: 2, 16>, scalar_prefetch = 0 : i64, scratch_operands = 4 : i64, tpu.core_type = #tpu.core_type<sc_vector_subcore>, window_params = [{transform_indices = #map}, {transform_indices = #map1}, {transform_indices = #map2}]} {
    %mul3A = arith.constant 2 : i32
    %mul3A_0 = arith.muli %arg1, %mul3A : i32
    %add3A = arith.addi %mul3A_0, %arg0 : i32
    %mul3A_1 = arith.constant 200 : i32
    %mul3A_2 = arith.muli %add3A, %mul3A_1 : i32
    %dma_start3A = arith.constant 0 : i32
    %dma_start3A_3 = tpu.memref_slice %arg3[%mul3A_2, %dma_start3A] : memref<8192x128xi32, #tpu.memory_space<hbm>> -> memref<200x128xi32, #tpu.memory_space<hbm>>
    %dma_start3A_4 = arith.constant 0 : i32
    %dma_start3A_5 = tpu.memref_slice %arg3[%mul3A_2, %dma_start3A_4] : memref<8192x128xi32, #tpu.memory_space<hbm>> -> memref<200x128xi32, #tpu.memory_space<hbm>>
    tpu.enqueue_dma source(%dma_start3A_5 : memref<200x128xi32, #tpu.memory_space<hbm>>) target(%arg5 : memref<200x128xi32, #tpu.memory_space<vmem>>) target_semaphore(%arg8 : memref<!tpu.dma_semaphore, #tpu.memory_space<semaphore_mem>>)
    %mul3A_6 = arith.constant 65536 : i32
    %mul3A_7 = arith.muli %arg1, %mul3A_6 : i32
    %mul3A_8 = arith.constant 65536 : i32
    %mul3A_9 = arith.muli %arg1, %mul3A_8 : i32
    "tpu.region"() ({
      %run_scoped3A = tpu.sem_alloc : memref<!tpu.dma_semaphore, #tpu.memory_space<semaphore_mem>>
      %dma_start3A_178 = tpu.memref_slice %arg7[%mul3A_9] : memref<1048576xf32, #tpu.memory_space<vmem_shared>> -> memref<65536xf32, #tpu.memory_space<vmem_shared>>
      %dma_start3A_179 = tpu.memref_slice %arg2[%mul3A_7] : memref<1048576xf32, #tpu.memory_space<hbm>> -> memref<65536xf32, #tpu.memory_space<hbm>>
      tpu.enqueue_dma source(%dma_start3A_179 : memref<65536xf32, #tpu.memory_space<hbm>>) target(%dma_start3A_178 : memref<65536xf32, #tpu.memory_space<vmem_shared>>) target_semaphore(%run_scoped3A : memref<!tpu.dma_semaphore, #tpu.memory_space<semaphore_mem>>)
      %dma_wait3A_180 = tpu.memref_slice %arg7[%mul3A_9] : memref<1048576xf32, #tpu.memory_space<vmem_shared>> -> memref<65536xf32, #tpu.memory_space<vmem_shared>>
      %dma_wait3A_181 = tpu.memref_slice %arg2[%mul3A_7] : memref<1048576xf32, #tpu.memory_space<hbm>> -> memref<65536xf32, #tpu.memory_space<hbm>>
      tpu.wait_dma2 semaphore(%run_scoped3A : memref<!tpu.dma_semaphore, #tpu.memory_space<semaphore_mem>>) src(%dma_wait3A_181 : memref<65536xf32, #tpu.memory_space<hbm>>) dst(%dma_wait3A_180 : memref<65536xf32, #tpu.memory_space<vmem_shared>>)
      tpu.yield
    }) : () -> ()
    %dma_wait3A = arith.constant 0 : i32
    %dma_wait3A_10 = tpu.memref_slice %arg3[%mul3A_2, %dma_wait3A] : memref<8192x128xi32, #tpu.memory_space<hbm>> -> memref<200x128xi32, #tpu.memory_space<hbm>>
    %dma_wait3A_11 = arith.constant 0 : i32
    %dma_wait3A_12 = tpu.memref_slice %arg3[%mul3A_2, %dma_wait3A_11] : memref<8192x128xi32, #tpu.memory_space<hbm>> -> memref<200x128xi32, #tpu.memory_space<hbm>>
    tpu.wait_dma2 semaphore(%arg8 : memref<!tpu.dma_semaphore, #tpu.memory_space<semaphore_mem>>) src(%dma_wait3A_12 : memref<200x128xi32, #tpu.memory_space<hbm>>) dst(%arg5 : memref<200x128xi32, #tpu.memory_space<vmem>>)
    %barrier3A = arith.constant 0 : index
    tpu.barrier barrier_id(%barrier3A)
    %dma_start3A_13 = arith.constant 0 : i32
    %dma_start3A_14 = arith.constant 0 : i32
    %dma_start3A_15 = arith.constant 0 : i32
    %dma_start3A_16 = tpu.memref_slice %arg6[%dma_start3A_14, %dma_start3A_15] : memref<200x128xf32, #tpu.memory_space<vmem>> -> memref<1x128xf32, #tpu.memory_space<vmem>>
    %dma_start3A_17 = tpu.memref_squeeze %dma_start3A_16 : memref<1x128xf32, #tpu.memory_space<vmem>> -> memref<128xf32, #tpu.memory_space<vmem>>
    %dma_start3A_18 = arith.constant 0 : i32
    %dma_start3A_19 = tpu.memref_slice %arg5[%dma_start3A_13, %dma_start3A_18] : memref<200x128xi32, #tpu.memory_space<vmem>> -> memref<1x128xi32, #tpu.memory_space<vmem>>
    %dma_start3A_20 = tpu.memref_squeeze %dma_start3A_19 : memref<1x128xi32, #tpu.memory_space<vmem>> -> memref<128xi32, #tpu.memory_space<vmem>>
    %dma_start3A_21 = arith.constant 0 : i32
    %dma_start3A_22 = tpu.memref_slice %arg7[%dma_start3A_21] : memref<1048576xf32, #tpu.memory_space<vmem_shared>> -> memref<1048576xf32, #tpu.memory_space<vmem_shared>>
    tpu.enqueue_indirect_dma source(%dma_start3A_22 : memref<1048576xf32, #tpu.memory_space<vmem_shared>>) target(%dma_start3A_17 : memref<128xf32, #tpu.memory_space<vmem>>) offsets(%dma_start3A_20 : memref<128xi32, #tpu.memory_space<vmem>>) semaphore(%arg8 : memref<!tpu.dma_semaphore, #tpu.memory_space<semaphore_mem>>)
    %dma_start3A_23 = arith.constant 1 : i32
    %dma_start3A_24 = arith.constant 1 : i32
    %dma_start3A_25 = arith.constant 0 : i32
    %dma_start3A_26 = tpu.memref_slice %arg6[%dma_start3A_24, %dma_start3A_25] : memref<200x128xf32, #tpu.memory_space<vmem>> -> memref<1x128xf32, #tpu.memory_space<vmem>>
    %dma_start3A_27 = tpu.memref_squeeze %dma_start3A_26 : memref<1x128xf32, #tpu.memory_space<vmem>> -> memref<128xf32, #tpu.memory_space<vmem>>
    %dma_start3A_28 = arith.constant 0 : i32
    %dma_start3A_29 = tpu.memref_slice %arg5[%dma_start3A_23, %dma_start3A_28] : memref<200x128xi32, #tpu.memory_space<vmem>> -> memref<1x128xi32, #tpu.memory_space<vmem>>
    %dma_start3A_30 = tpu.memref_squeeze %dma_start3A_29 : memref<1x128xi32, #tpu.memory_space<vmem>> -> memref<128xi32, #tpu.memory_space<vmem>>
    %dma_start3A_31 = arith.constant 0 : i32
    %dma_start3A_32 = tpu.memref_slice %arg7[%dma_start3A_31] : memref<1048576xf32, #tpu.memory_space<vmem_shared>> -> memref<1048576xf32, #tpu.memory_space<vmem_shared>>
    tpu.enqueue_indirect_dma source(%dma_start3A_32 : memref<1048576xf32, #tpu.memory_space<vmem_shared>>) target(%dma_start3A_27 : memref<128xf32, #tpu.memory_space<vmem>>) offsets(%dma_start3A_30 : memref<128xi32, #tpu.memory_space<vmem>>) semaphore(%arg8 : memref<!tpu.dma_semaphore, #tpu.memory_space<semaphore_mem>>)
    %dma_start3A_33 = arith.constant 2 : i32
    %dma_start3A_34 = arith.constant 2 : i32
    %dma_start3A_35 = arith.constant 0 : i32
    %dma_start3A_36 = tpu.memref_slice %arg6[%dma_start3A_34, %dma_start3A_35] : memref<200x128xf32, #tpu.memory_space<vmem>> -> memref<1x128xf32, #tpu.memory_space<vmem>>
    %dma_start3A_37 = tpu.memref_squeeze %dma_start3A_36 : memref<1x128xf32, #tpu.memory_space<vmem>> -> memref<128xf32, #tpu.memory_space<vmem>>
    %dma_start3A_38 = arith.constant 0 : i32
    %dma_start3A_39 = tpu.memref_slice %arg5[%dma_start3A_33, %dma_start3A_38] : memref<200x128xi32, #tpu.memory_space<vmem>> -> memref<1x128xi32, #tpu.memory_space<vmem>>
    %dma_start3A_40 = tpu.memref_squeeze %dma_start3A_39 : memref<1x128xi32, #tpu.memory_space<vmem>> -> memref<128xi32, #tpu.memory_space<vmem>>
    %dma_start3A_41 = arith.constant 0 : i32
    %dma_start3A_42 = tpu.memref_slice %arg7[%dma_start3A_41] : memref<1048576xf32, #tpu.memory_space<vmem_shared>> -> memref<1048576xf32, #tpu.memory_space<vmem_shared>>
    tpu.enqueue_indirect_dma source(%dma_start3A_42 : memref<1048576xf32, #tpu.memory_space<vmem_shared>>) target(%dma_start3A_37 : memref<128xf32, #tpu.memory_space<vmem>>) offsets(%dma_start3A_40 : memref<128xi32, #tpu.memory_space<vmem>>) semaphore(%arg8 : memref<!tpu.dma_semaphore, #tpu.memory_space<semaphore_mem>>)
    %dma_start3A_43 = arith.constant 3 : i32
    %dma_start3A_44 = arith.constant 3 : i32
    %dma_start3A_45 = arith.constant 0 : i32
    %dma_start3A_46 = tpu.memref_slice %arg6[%dma_start3A_44, %dma_start3A_45] : memref<200x128xf32, #tpu.memory_space<vmem>> -> memref<1x128xf32, #tpu.memory_space<vmem>>
    %dma_start3A_47 = tpu.memref_squeeze %dma_start3A_46 : memref<1x128xf32, #tpu.memory_space<vmem>> -> memref<128xf32, #tpu.memory_space<vmem>>
    %dma_start3A_48 = arith.constant 0 : i32
    %dma_start3A_49 = tpu.memref_slice %arg5[%dma_start3A_43, %dma_start3A_48] : memref<200x128xi32, #tpu.memory_space<vmem>> -> memref<1x128xi32, #tpu.memory_space<vmem>>
    %dma_start3A_50 = tpu.memref_squeeze %dma_start3A_49 : memref<1x128xi32, #tpu.memory_space<vmem>> -> memref<128xi32, #tpu.memory_space<vmem>>
    %dma_start3A_51 = arith.constant 0 : i32
    %dma_start3A_52 = tpu.memref_slice %arg7[%dma_start3A_51] : memref<1048576xf32, #tpu.memory_space<vmem_shared>> -> memref<1048576xf32, #tpu.memory_space<vmem_shared>>
    tpu.enqueue_indirect_dma source(%dma_start3A_52 : memref<1048576xf32, #tpu.memory_space<vmem_shared>>) target(%dma_start3A_47 : memref<128xf32, #tpu.memory_space<vmem>>) offsets(%dma_start3A_50 : memref<128xi32, #tpu.memory_space<vmem>>) semaphore(%arg8 : memref<!tpu.dma_semaphore, #tpu.memory_space<semaphore_mem>>)
    %dma_start3A_53 = arith.constant 4 : i32
    %dma_start3A_54 = arith.constant 4 : i32
    %dma_start3A_55 = arith.constant 0 : i32
    %dma_start3A_56 = tpu.memref_slice %arg6[%dma_start3A_54, %dma_start3A_55] : memref<200x128xf32, #tpu.memory_space<vmem>> -> memref<1x128xf32, #tpu.memory_space<vmem>>
    %dma_start3A_57 = tpu.memref_squeeze %dma_start3A_56 : memref<1x128xf32, #tpu.memory_space<vmem>> -> memref<128xf32, #tpu.memory_space<vmem>>
    %dma_start3A_58 = arith.constant 0 : i32
    %dma_start3A_59 = tpu.memref_slice %arg5[%dma_start3A_53, %dma_start3A_58] : memref<200x128xi32, #tpu.memory_space<vmem>> -> memref<1x128xi32, #tpu.memory_space<vmem>>
    %dma_start3A_60 = tpu.memref_squeeze %dma_start3A_59 : memref<1x128xi32, #tpu.memory_space<vmem>> -> memref<128xi32, #tpu.memory_space<vmem>>
    %dma_start3A_61 = arith.constant 0 : i32
    %dma_start3A_62 = tpu.memref_slice %arg7[%dma_start3A_61] : memref<1048576xf32, #tpu.memory_space<vmem_shared>> -> memref<1048576xf32, #tpu.memory_space<vmem_shared>>
    tpu.enqueue_indirect_dma source(%dma_start3A_62 : memref<1048576xf32, #tpu.memory_space<vmem_shared>>) target(%dma_start3A_57 : memref<128xf32, #tpu.memory_space<vmem>>) offsets(%dma_start3A_60 : memref<128xi32, #tpu.memory_space<vmem>>) semaphore(%arg8 : memref<!tpu.dma_semaphore, #tpu.memory_space<semaphore_mem>>)
    %dma_start3A_63 = arith.constant 5 : i32
    %dma_start3A_64 = arith.constant 5 : i32
    %dma_start3A_65 = arith.constant 0 : i32
    %dma_start3A_66 = tpu.memref_slice %arg6[%dma_start3A_64, %dma_start3A_65] : memref<200x128xf32, #tpu.memory_space<vmem>> -> memref<1x128xf32, #tpu.memory_space<vmem>>
    %dma_start3A_67 = tpu.memref_squeeze %dma_start3A_66 : memref<1x128xf32, #tpu.memory_space<vmem>> -> memref<128xf32, #tpu.memory_space<vmem>>
    %dma_start3A_68 = arith.constant 0 : i32
    %dma_start3A_69 = tpu.memref_slice %arg5[%dma_start3A_63, %dma_start3A_68] : memref<200x128xi32, #tpu.memory_space<vmem>> -> memref<1x128xi32, #tpu.memory_space<vmem>>
    %dma_start3A_70 = tpu.memref_squeeze %dma_start3A_69 : memref<1x128xi32, #tpu.memory_space<vmem>> -> memref<128xi32, #tpu.memory_space<vmem>>
    %dma_start3A_71 = arith.constant 0 : i32
    %dma_start3A_72 = tpu.memref_slice %arg7[%dma_start3A_71] : memref<1048576xf32, #tpu.memory_space<vmem_shared>> -> memref<1048576xf32, #tpu.memory_space<vmem_shared>>
    tpu.enqueue_indirect_dma source(%dma_start3A_72 : memref<1048576xf32, #tpu.memory_space<vmem_shared>>) target(%dma_start3A_67 : memref<128xf32, #tpu.memory_space<vmem>>) offsets(%dma_start3A_70 : memref<128xi32, #tpu.memory_space<vmem>>) semaphore(%arg8 : memref<!tpu.dma_semaphore, #tpu.memory_space<semaphore_mem>>)
    %dma_start3A_73 = arith.constant 6 : i32
    %dma_start3A_74 = arith.constant 6 : i32
    %dma_start3A_75 = arith.constant 0 : i32
    %dma_start3A_76 = tpu.memref_slice %arg6[%dma_start3A_74, %dma_start3A_75] : memref<200x128xf32, #tpu.memory_space<vmem>> -> memref<1x128xf32, #tpu.memory_space<vmem>>
    %dma_start3A_77 = tpu.memref_squeeze %dma_start3A_76 : memref<1x128xf32, #tpu.memory_space<vmem>> -> memref<128xf32, #tpu.memory_space<vmem>>
    %dma_start3A_78 = arith.constant 0 : i32
    %dma_start3A_79 = tpu.memref_slice %arg5[%dma_start3A_73, %dma_start3A_78] : memref<200x128xi32, #tpu.memory_space<vmem>> -> memref<1x128xi32, #tpu.memory_space<vmem>>
    %dma_start3A_80 = tpu.memref_squeeze %dma_start3A_79 : memref<1x128xi32, #tpu.memory_space<vmem>> -> memref<128xi32, #tpu.memory_space<vmem>>
    %dma_start3A_81 = arith.constant 0 : i32
    %dma_start3A_82 = tpu.memref_slice %arg7[%dma_start3A_81] : memref<1048576xf32, #tpu.memory_space<vmem_shared>> -> memref<1048576xf32, #tpu.memory_space<vmem_shared>>
    tpu.enqueue_indirect_dma source(%dma_start3A_82 : memref<1048576xf32, #tpu.memory_space<vmem_shared>>) target(%dma_start3A_77 : memref<128xf32, #tpu.memory_space<vmem>>) offsets(%dma_start3A_80 : memref<128xi32, #tpu.memory_space<vmem>>) semaphore(%arg8 : memref<!tpu.dma_semaphore, #tpu.memory_space<semaphore_mem>>)
    %dma_start3A_83 = arith.constant 7 : i32
    %dma_start3A_84 = arith.constant 7 : i32
    %dma_start3A_85 = arith.constant 0 : i32
    %dma_start3A_86 = tpu.memref_slice %arg6[%dma_start3A_84, %dma_start3A_85] : memref<200x128xf32, #tpu.memory_space<vmem>> -> memref<1x128xf32, #tpu.memory_space<vmem>>
    %dma_start3A_87 = tpu.memref_squeeze %dma_start3A_86 : memref<1x128xf32, #tpu.memory_space<vmem>> -> memref<128xf32, #tpu.memory_space<vmem>>
    %dma_start3A_88 = arith.constant 0 : i32
    %dma_start3A_89 = tpu.memref_slice %arg5[%dma_start3A_83, %dma_start3A_88] : memref<200x128xi32, #tpu.memory_space<vmem>> -> memref<1x128xi32, #tpu.memory_space<vmem>>
    %dma_start3A_90 = tpu.memref_squeeze %dma_start3A_89 : memref<1x128xi32, #tpu.memory_space<vmem>> -> memref<128xi32, #tpu.memory_space<vmem>>
    %dma_start3A_91 = arith.constant 0 : i32
    %dma_start3A_92 = tpu.memref_slice %arg7[%dma_start3A_91] : memref<1048576xf32, #tpu.memory_space<vmem_shared>> -> memref<1048576xf32, #tpu.memory_space<vmem_shared>>
    tpu.enqueue_indirect_dma source(%dma_start3A_92 : memref<1048576xf32, #tpu.memory_space<vmem_shared>>) target(%dma_start3A_87 : memref<128xf32, #tpu.memory_space<vmem>>) offsets(%dma_start3A_90 : memref<128xi32, #tpu.memory_space<vmem>>) semaphore(%arg8 : memref<!tpu.dma_semaphore, #tpu.memory_space<semaphore_mem>>)
    %scan3A = arith.constant 0 : i32
    %scan3A_93 = arith.constant 2 : i32
    %scan3A_94 = arith.constant 48 : i32
    %scan3A_95 = arith.addi %scan3A_93, %scan3A_94 : i32
    %scan3A_96 = arith.constant 1 : i32
    scf.for %scan3A_178 = %scan3A_93 to %scan3A_95 step %scan3A_96  : i32 {
      %mul3A_179 = arith.constant 4 : i32
      %mul3A_180 = arith.muli %scan3A_178, %mul3A_179 : i32
      %add3A_181 = arith.constant 0 : i32
      %add3A_182 = arith.addi %mul3A_180, %add3A_181 : i32
      %add3A_183 = arith.constant 0 : i32
      %add3A_184 = arith.addi %mul3A_180, %add3A_183 : i32
      %dma_start3A_185 = arith.constant 0 : i32
      %dma_start3A_186 = tpu.memref_slice %arg6[%add3A_184, %dma_start3A_185] : memref<200x128xf32, #tpu.memory_space<vmem>> -> memref<1x128xf32, #tpu.memory_space<vmem>>
      %dma_start3A_187 = tpu.memref_squeeze %dma_start3A_186 : memref<1x128xf32, #tpu.memory_space<vmem>> -> memref<128xf32, #tpu.memory_space<vmem>>
      %dma_start3A_188 = arith.constant 0 : i32
      %dma_start3A_189 = tpu.memref_slice %arg5[%add3A_182, %dma_start3A_188] : memref<200x128xi32, #tpu.memory_space<vmem>> -> memref<1x128xi32, #tpu.memory_space<vmem>>
      %dma_start3A_190 = tpu.memref_squeeze %dma_start3A_189 : memref<1x128xi32, #tpu.memory_space<vmem>> -> memref<128xi32, #tpu.memory_space<vmem>>
      %dma_start3A_191 = arith.constant 0 : i32
      %dma_start3A_192 = tpu.memref_slice %arg7[%dma_start3A_191] : memref<1048576xf32, #tpu.memory_space<vmem_shared>> -> memref<1048576xf32, #tpu.memory_space<vmem_shared>>
      tpu.enqueue_indirect_dma source(%dma_start3A_192 : memref<1048576xf32, #tpu.memory_space<vmem_shared>>) target(%dma_start3A_187 : memref<128xf32, #tpu.memory_space<vmem>>) offsets(%dma_start3A_190 : memref<128xi32, #tpu.memory_space<vmem>>) semaphore(%arg8 : memref<!tpu.dma_semaphore, #tpu.memory_space<semaphore_mem>>)
      %add3A_193 = arith.constant 1 : i32
      %add3A_194 = arith.addi %mul3A_180, %add3A_193 : i32
      %add3A_195 = arith.constant 1 : i32
      %add3A_196 = arith.addi %mul3A_180, %add3A_195 : i32
      %dma_start3A_197 = arith.constant 0 : i32
      %dma_start3A_198 = tpu.memref_slice %arg6[%add3A_196, %dma_start3A_197] : memref<200x128xf32, #tpu.memory_space<vmem>> -> memref<1x128xf32, #tpu.memory_space<vmem>>
      %dma_start3A_199 = tpu.memref_squeeze %dma_start3A_198 : memref<1x128xf32, #tpu.memory_space<vmem>> -> memref<128xf32, #tpu.memory_space<vmem>>
      %dma_start3A_200 = arith.constant 0 : i32
      %dma_start3A_201 = tpu.memref_slice %arg5[%add3A_194, %dma_start3A_200] : memref<200x128xi32, #tpu.memory_space<vmem>> -> memref<1x128xi32, #tpu.memory_space<vmem>>
      %dma_start3A_202 = tpu.memref_squeeze %dma_start3A_201 : memref<1x128xi32, #tpu.memory_space<vmem>> -> memref<128xi32, #tpu.memory_space<vmem>>
      %dma_start3A_203 = arith.constant 0 : i32
      %dma_start3A_204 = tpu.memref_slice %arg7[%dma_start3A_203] : memref<1048576xf32, #tpu.memory_space<vmem_shared>> -> memref<1048576xf32, #tpu.memory_space<vmem_shared>>
      tpu.enqueue_indirect_dma source(%dma_start3A_204 : memref<1048576xf32, #tpu.memory_space<vmem_shared>>) target(%dma_start3A_199 : memref<128xf32, #tpu.memory_space<vmem>>) offsets(%dma_start3A_202 : memref<128xi32, #tpu.memory_space<vmem>>) semaphore(%arg8 : memref<!tpu.dma_semaphore, #tpu.memory_space<semaphore_mem>>)
      %add3A_205 = arith.constant 2 : i32
      %add3A_206 = arith.addi %mul3A_180, %add3A_205 : i32
      %add3A_207 = arith.constant 2 : i32
      %add3A_208 = arith.addi %mul3A_180, %add3A_207 : i32
      %dma_start3A_209 = arith.constant 0 : i32
      %dma_start3A_210 = tpu.memref_slice %arg6[%add3A_208, %dma_start3A_209] : memref<200x128xf32, #tpu.memory_space<vmem>> -> memref<1x128xf32, #tpu.memory_space<vmem>>
      %dma_start3A_211 = tpu.memref_squeeze %dma_start3A_210 : memref<1x128xf32, #tpu.memory_space<vmem>> -> memref<128xf32, #tpu.memory_space<vmem>>
      %dma_start3A_212 = arith.constant 0 : i32
      %dma_start3A_213 = tpu.memref_slice %arg5[%add3A_206, %dma_start3A_212] : memref<200x128xi32, #tpu.memory_space<vmem>> -> memref<1x128xi32, #tpu.memory_space<vmem>>
      %dma_start3A_214 = tpu.memref_squeeze %dma_start3A_213 : memref<1x128xi32, #tpu.memory_space<vmem>> -> memref<128xi32, #tpu.memory_space<vmem>>
      %dma_start3A_215 = arith.constant 0 : i32
      %dma_start3A_216 = tpu.memref_slice %arg7[%dma_start3A_215] : memref<1048576xf32, #tpu.memory_space<vmem_shared>> -> memref<1048576xf32, #tpu.memory_space<vmem_shared>>
      tpu.enqueue_indirect_dma source(%dma_start3A_216 : memref<1048576xf32, #tpu.memory_space<vmem_shared>>) target(%dma_start3A_211 : memref<128xf32, #tpu.memory_space<vmem>>) offsets(%dma_start3A_214 : memref<128xi32, #tpu.memory_space<vmem>>) semaphore(%arg8 : memref<!tpu.dma_semaphore, #tpu.memory_space<semaphore_mem>>)
      %add3A_217 = arith.constant 3 : i32
      %add3A_218 = arith.addi %mul3A_180, %add3A_217 : i32
      %add3A_219 = arith.constant 3 : i32
      %add3A_220 = arith.addi %mul3A_180, %add3A_219 : i32
      %dma_start3A_221 = arith.constant 0 : i32
      %dma_start3A_222 = tpu.memref_slice %arg6[%add3A_220, %dma_start3A_221] : memref<200x128xf32, #tpu.memory_space<vmem>> -> memref<1x128xf32, #tpu.memory_space<vmem>>
      %dma_start3A_223 = tpu.memref_squeeze %dma_start3A_222 : memref<1x128xf32, #tpu.memory_space<vmem>> -> memref<128xf32, #tpu.memory_space<vmem>>
      %dma_start3A_224 = arith.constant 0 : i32
      %dma_start3A_225 = tpu.memref_slice %arg5[%add3A_218, %dma_start3A_224] : memref<200x128xi32, #tpu.memory_space<vmem>> -> memref<1x128xi32, #tpu.memory_space<vmem>>
      %dma_start3A_226 = tpu.memref_squeeze %dma_start3A_225 : memref<1x128xi32, #tpu.memory_space<vmem>> -> memref<128xi32, #tpu.memory_space<vmem>>
      %dma_start3A_227 = arith.constant 0 : i32
      %dma_start3A_228 = tpu.memref_slice %arg7[%dma_start3A_227] : memref<1048576xf32, #tpu.memory_space<vmem_shared>> -> memref<1048576xf32, #tpu.memory_space<vmem_shared>>
      tpu.enqueue_indirect_dma source(%dma_start3A_228 : memref<1048576xf32, #tpu.memory_space<vmem_shared>>) target(%dma_start3A_223 : memref<128xf32, #tpu.memory_space<vmem>>) offsets(%dma_start3A_226 : memref<128xi32, #tpu.memory_space<vmem>>) semaphore(%arg8 : memref<!tpu.dma_semaphore, #tpu.memory_space<semaphore_mem>>)
      %sub3A = arith.constant 2 : i32
      %sub3A_229 = arith.subi %scan3A_178, %sub3A : i32
      %mul3A_230 = arith.constant 4 : i32
      %mul3A_231 = arith.muli %sub3A_229, %mul3A_230 : i32
      %add3A_232 = arith.constant 0 : i32
      %add3A_233 = arith.addi %mul3A_231, %add3A_232 : i32
      %add3A_234 = arith.constant 0 : i32
      %add3A_235 = arith.addi %mul3A_231, %add3A_234 : i32
      %dma_wait3A_236 = arith.constant 0 : i32
      %dma_wait3A_237 = tpu.memref_slice %arg6[%add3A_235, %dma_wait3A_236] : memref<200x128xf32, #tpu.memory_space<vmem>> -> memref<1x128xf32, #tpu.memory_space<vmem>>
      %dma_wait3A_238 = tpu.memref_squeeze %dma_wait3A_237 : memref<1x128xf32, #tpu.memory_space<vmem>> -> memref<128xf32, #tpu.memory_space<vmem>>
      %dma_wait3A_239 = arith.constant 0 : i32
      %dma_wait3A_240 = tpu.memref_slice %arg5[%add3A_233, %dma_wait3A_239] : memref<200x128xi32, #tpu.memory_space<vmem>> -> memref<1x128xi32, #tpu.memory_space<vmem>>
      %dma_wait3A_241 = tpu.memref_squeeze %dma_wait3A_240 : memref<1x128xi32, #tpu.memory_space<vmem>> -> memref<128xi32, #tpu.memory_space<vmem>>
      %dma_wait3A_242 = arith.constant 0 : i32
      %dma_wait3A_243 = tpu.memref_slice %arg2[%dma_wait3A_242] : memref<1048576xf32, #tpu.memory_space<hbm>> -> memref<1048576xf32, #tpu.memory_space<hbm>>
      tpu.wait_indirect_dma semaphore(%arg8 : memref<!tpu.dma_semaphore, #tpu.memory_space<semaphore_mem>>) src(%dma_wait3A_243 : memref<1048576xf32, #tpu.memory_space<hbm>>) dst(%dma_wait3A_238 : memref<128xf32, #tpu.memory_space<vmem>>)
      %add3A_244 = arith.constant 1 : i32
      %add3A_245 = arith.addi %mul3A_231, %add3A_244 : i32
      %add3A_246 = arith.constant 1 : i32
      %add3A_247 = arith.addi %mul3A_231, %add3A_246 : i32
      %dma_wait3A_248 = arith.constant 0 : i32
      %dma_wait3A_249 = tpu.memref_slice %arg6[%add3A_247, %dma_wait3A_248] : memref<200x128xf32, #tpu.memory_space<vmem>> -> memref<1x128xf32, #tpu.memory_space<vmem>>
      %dma_wait3A_250 = tpu.memref_squeeze %dma_wait3A_249 : memref<1x128xf32, #tpu.memory_space<vmem>> -> memref<128xf32, #tpu.memory_space<vmem>>
      %dma_wait3A_251 = arith.constant 0 : i32
      %dma_wait3A_252 = tpu.memref_slice %arg5[%add3A_245, %dma_wait3A_251] : memref<200x128xi32, #tpu.memory_space<vmem>> -> memref<1x128xi32, #tpu.memory_space<vmem>>
      %dma_wait3A_253 = tpu.memref_squeeze %dma_wait3A_252 : memref<1x128xi32, #tpu.memory_space<vmem>> -> memref<128xi32, #tpu.memory_space<vmem>>
      %dma_wait3A_254 = arith.constant 0 : i32
      %dma_wait3A_255 = tpu.memref_slice %arg2[%dma_wait3A_254] : memref<1048576xf32, #tpu.memory_space<hbm>> -> memref<1048576xf32, #tpu.memory_space<hbm>>
      tpu.wait_indirect_dma semaphore(%arg8 : memref<!tpu.dma_semaphore, #tpu.memory_space<semaphore_mem>>) src(%dma_wait3A_255 : memref<1048576xf32, #tpu.memory_space<hbm>>) dst(%dma_wait3A_250 : memref<128xf32, #tpu.memory_space<vmem>>)
      %add3A_256 = arith.constant 2 : i32
      %add3A_257 = arith.addi %mul3A_231, %add3A_256 : i32
      %add3A_258 = arith.constant 2 : i32
      %add3A_259 = arith.addi %mul3A_231, %add3A_258 : i32
      %dma_wait3A_260 = arith.constant 0 : i32
      %dma_wait3A_261 = tpu.memref_slice %arg6[%add3A_259, %dma_wait3A_260] : memref<200x128xf32, #tpu.memory_space<vmem>> -> memref<1x128xf32, #tpu.memory_space<vmem>>
      %dma_wait3A_262 = tpu.memref_squeeze %dma_wait3A_261 : memref<1x128xf32, #tpu.memory_space<vmem>> -> memref<128xf32, #tpu.memory_space<vmem>>
      %dma_wait3A_263 = arith.constant 0 : i32
      %dma_wait3A_264 = tpu.memref_slice %arg5[%add3A_257, %dma_wait3A_263] : memref<200x128xi32, #tpu.memory_space<vmem>> -> memref<1x128xi32, #tpu.memory_space<vmem>>
      %dma_wait3A_265 = tpu.memref_squeeze %dma_wait3A_264 : memref<1x128xi32, #tpu.memory_space<vmem>> -> memref<128xi32, #tpu.memory_space<vmem>>
      %dma_wait3A_266 = arith.constant 0 : i32
      %dma_wait3A_267 = tpu.memref_slice %arg2[%dma_wait3A_266] : memref<1048576xf32, #tpu.memory_space<hbm>> -> memref<1048576xf32, #tpu.memory_space<hbm>>
      tpu.wait_indirect_dma semaphore(%arg8 : memref<!tpu.dma_semaphore, #tpu.memory_space<semaphore_mem>>) src(%dma_wait3A_267 : memref<1048576xf32, #tpu.memory_space<hbm>>) dst(%dma_wait3A_262 : memref<128xf32, #tpu.memory_space<vmem>>)
      %add3A_268 = arith.constant 3 : i32
      %add3A_269 = arith.addi %mul3A_231, %add3A_268 : i32
      %add3A_270 = arith.constant 3 : i32
      %add3A_271 = arith.addi %mul3A_231, %add3A_270 : i32
      %dma_wait3A_272 = arith.constant 0 : i32
      %dma_wait3A_273 = tpu.memref_slice %arg6[%add3A_271, %dma_wait3A_272] : memref<200x128xf32, #tpu.memory_space<vmem>> -> memref<1x128xf32, #tpu.memory_space<vmem>>
      %dma_wait3A_274 = tpu.memref_squeeze %dma_wait3A_273 : memref<1x128xf32, #tpu.memory_space<vmem>> -> memref<128xf32, #tpu.memory_space<vmem>>
      %dma_wait3A_275 = arith.constant 0 : i32
      %dma_wait3A_276 = tpu.memref_slice %arg5[%add3A_269, %dma_wait3A_275] : memref<200x128xi32, #tpu.memory_space<vmem>> -> memref<1x128xi32, #tpu.memory_space<vmem>>
      %dma_wait3A_277 = tpu.memref_squeeze %dma_wait3A_276 : memref<1x128xi32, #tpu.memory_space<vmem>> -> memref<128xi32, #tpu.memory_space<vmem>>
      %dma_wait3A_278 = arith.constant 0 : i32
      %dma_wait3A_279 = tpu.memref_slice %arg2[%dma_wait3A_278] : memref<1048576xf32, #tpu.memory_space<hbm>> -> memref<1048576xf32, #tpu.memory_space<hbm>>
      tpu.wait_indirect_dma semaphore(%arg8 : memref<!tpu.dma_semaphore, #tpu.memory_space<semaphore_mem>>) src(%dma_wait3A_279 : memref<1048576xf32, #tpu.memory_space<hbm>>) dst(%dma_wait3A_274 : memref<128xf32, #tpu.memory_space<vmem>>)
    }
    %scan3A_97 = arith.constant 48 : i32
    %dma_wait3A_98 = arith.constant 192 : i32
    %dma_wait3A_99 = arith.constant 192 : i32
    %dma_wait3A_100 = arith.constant 0 : i32
    %dma_wait3A_101 = tpu.memref_slice %arg6[%dma_wait3A_99, %dma_wait3A_100] : memref<200x128xf32, #tpu.memory_space<vmem>> -> memref<1x128xf32, #tpu.memory_space<vmem>>
    %dma_wait3A_102 = tpu.memref_squeeze %dma_wait3A_101 : memref<1x128xf32, #tpu.memory_space<vmem>> -> memref<128xf32, #tpu.memory_space<vmem>>
    %dma_wait3A_103 = arith.constant 0 : i32
    %dma_wait3A_104 = tpu.memref_slice %arg5[%dma_wait3A_98, %dma_wait3A_103] : memref<200x128xi32, #tpu.memory_space<vmem>> -> memref<1x128xi32, #tpu.memory_space<vmem>>
    %dma_wait3A_105 = tpu.memref_squeeze %dma_wait3A_104 : memref<1x128xi32, #tpu.memory_space<vmem>> -> memref<128xi32, #tpu.memory_space<vmem>>
    %dma_wait3A_106 = arith.constant 0 : i32
    %dma_wait3A_107 = tpu.memref_slice %arg2[%dma_wait3A_106] : memref<1048576xf32, #tpu.memory_space<hbm>> -> memref<1048576xf32, #tpu.memory_space<hbm>>
    tpu.wait_indirect_dma semaphore(%arg8 : memref<!tpu.dma_semaphore, #tpu.memory_space<semaphore_mem>>) src(%dma_wait3A_107 : memref<1048576xf32, #tpu.memory_space<hbm>>) dst(%dma_wait3A_102 : memref<128xf32, #tpu.memory_space<vmem>>)
    %dma_wait3A_108 = arith.constant 193 : i32
    %dma_wait3A_109 = arith.constant 193 : i32
    %dma_wait3A_110 = arith.constant 0 : i32
    %dma_wait3A_111 = tpu.memref_slice %arg6[%dma_wait3A_109, %dma_wait3A_110] : memref<200x128xf32, #tpu.memory_space<vmem>> -> memref<1x128xf32, #tpu.memory_space<vmem>>
    %dma_wait3A_112 = tpu.memref_squeeze %dma_wait3A_111 : memref<1x128xf32, #tpu.memory_space<vmem>> -> memref<128xf32, #tpu.memory_space<vmem>>
    %dma_wait3A_113 = arith.constant 0 : i32
    %dma_wait3A_114 = tpu.memref_slice %arg5[%dma_wait3A_108, %dma_wait3A_113] : memref<200x128xi32, #tpu.memory_space<vmem>> -> memref<1x128xi32, #tpu.memory_space<vmem>>
    %dma_wait3A_115 = tpu.memref_squeeze %dma_wait3A_114 : memref<1x128xi32, #tpu.memory_space<vmem>> -> memref<128xi32, #tpu.memory_space<vmem>>
    %dma_wait3A_116 = arith.constant 0 : i32
    %dma_wait3A_117 = tpu.memref_slice %arg2[%dma_wait3A_116] : memref<1048576xf32, #tpu.memory_space<hbm>> -> memref<1048576xf32, #tpu.memory_space<hbm>>
    tpu.wait_indirect_dma semaphore(%arg8 : memref<!tpu.dma_semaphore, #tpu.memory_space<semaphore_mem>>) src(%dma_wait3A_117 : memref<1048576xf32, #tpu.memory_space<hbm>>) dst(%dma_wait3A_112 : memref<128xf32, #tpu.memory_space<vmem>>)
    %dma_wait3A_118 = arith.constant 194 : i32
    %dma_wait3A_119 = arith.constant 194 : i32
    %dma_wait3A_120 = arith.constant 0 : i32
    %dma_wait3A_121 = tpu.memref_slice %arg6[%dma_wait3A_119, %dma_wait3A_120] : memref<200x128xf32, #tpu.memory_space<vmem>> -> memref<1x128xf32, #tpu.memory_space<vmem>>
    %dma_wait3A_122 = tpu.memref_squeeze %dma_wait3A_121 : memref<1x128xf32, #tpu.memory_space<vmem>> -> memref<128xf32, #tpu.memory_space<vmem>>
    %dma_wait3A_123 = arith.constant 0 : i32
    %dma_wait3A_124 = tpu.memref_slice %arg5[%dma_wait3A_118, %dma_wait3A_123] : memref<200x128xi32, #tpu.memory_space<vmem>> -> memref<1x128xi32, #tpu.memory_space<vmem>>
    %dma_wait3A_125 = tpu.memref_squeeze %dma_wait3A_124 : memref<1x128xi32, #tpu.memory_space<vmem>> -> memref<128xi32, #tpu.memory_space<vmem>>
    %dma_wait3A_126 = arith.constant 0 : i32
    %dma_wait3A_127 = tpu.memref_slice %arg2[%dma_wait3A_126] : memref<1048576xf32, #tpu.memory_space<hbm>> -> memref<1048576xf32, #tpu.memory_space<hbm>>
    tpu.wait_indirect_dma semaphore(%arg8 : memref<!tpu.dma_semaphore, #tpu.memory_space<semaphore_mem>>) src(%dma_wait3A_127 : memref<1048576xf32, #tpu.memory_space<hbm>>) dst(%dma_wait3A_122 : memref<128xf32, #tpu.memory_space<vmem>>)
    %dma_wait3A_128 = arith.constant 195 : i32
    %dma_wait3A_129 = arith.constant 195 : i32
    %dma_wait3A_130 = arith.constant 0 : i32
    %dma_wait3A_131 = tpu.memref_slice %arg6[%dma_wait3A_129, %dma_wait3A_130] : memref<200x128xf32, #tpu.memory_space<vmem>> -> memref<1x128xf32, #tpu.memory_space<vmem>>
    %dma_wait3A_132 = tpu.memref_squeeze %dma_wait3A_131 : memref<1x128xf32, #tpu.memory_space<vmem>> -> memref<128xf32, #tpu.memory_space<vmem>>
    %dma_wait3A_133 = arith.constant 0 : i32
    %dma_wait3A_134 = tpu.memref_slice %arg5[%dma_wait3A_128, %dma_wait3A_133] : memref<200x128xi32, #tpu.memory_space<vmem>> -> memref<1x128xi32, #tpu.memory_space<vmem>>
    %dma_wait3A_135 = tpu.memref_squeeze %dma_wait3A_134 : memref<1x128xi32, #tpu.memory_space<vmem>> -> memref<128xi32, #tpu.memory_space<vmem>>
    %dma_wait3A_136 = arith.constant 0 : i32
    %dma_wait3A_137 = tpu.memref_slice %arg2[%dma_wait3A_136] : memref<1048576xf32, #tpu.memory_space<hbm>> -> memref<1048576xf32, #tpu.memory_space<hbm>>
    tpu.wait_indirect_dma semaphore(%arg8 : memref<!tpu.dma_semaphore, #tpu.memory_space<semaphore_mem>>) src(%dma_wait3A_137 : memref<1048576xf32, #tpu.memory_space<hbm>>) dst(%dma_wait3A_132 : memref<128xf32, #tpu.memory_space<vmem>>)
    %dma_wait3A_138 = arith.constant 196 : i32
    %dma_wait3A_139 = arith.constant 196 : i32
    %dma_wait3A_140 = arith.constant 0 : i32
    %dma_wait3A_141 = tpu.memref_slice %arg6[%dma_wait3A_139, %dma_wait3A_140] : memref<200x128xf32, #tpu.memory_space<vmem>> -> memref<1x128xf32, #tpu.memory_space<vmem>>
    %dma_wait3A_142 = tpu.memref_squeeze %dma_wait3A_141 : memref<1x128xf32, #tpu.memory_space<vmem>> -> memref<128xf32, #tpu.memory_space<vmem>>
    %dma_wait3A_143 = arith.constant 0 : i32
    %dma_wait3A_144 = tpu.memref_slice %arg5[%dma_wait3A_138, %dma_wait3A_143] : memref<200x128xi32, #tpu.memory_space<vmem>> -> memref<1x128xi32, #tpu.memory_space<vmem>>
    %dma_wait3A_145 = tpu.memref_squeeze %dma_wait3A_144 : memref<1x128xi32, #tpu.memory_space<vmem>> -> memref<128xi32, #tpu.memory_space<vmem>>
    %dma_wait3A_146 = arith.constant 0 : i32
    %dma_wait3A_147 = tpu.memref_slice %arg2[%dma_wait3A_146] : memref<1048576xf32, #tpu.memory_space<hbm>> -> memref<1048576xf32, #tpu.memory_space<hbm>>
    tpu.wait_indirect_dma semaphore(%arg8 : memref<!tpu.dma_semaphore, #tpu.memory_space<semaphore_mem>>) src(%dma_wait3A_147 : memref<1048576xf32, #tpu.memory_space<hbm>>) dst(%dma_wait3A_142 : memref<128xf32, #tpu.memory_space<vmem>>)
    %dma_wait3A_148 = arith.constant 197 : i32
    %dma_wait3A_149 = arith.constant 197 : i32
    %dma_wait3A_150 = arith.constant 0 : i32
    %dma_wait3A_151 = tpu.memref_slice %arg6[%dma_wait3A_149, %dma_wait3A_150] : memref<200x128xf32, #tpu.memory_space<vmem>> -> memref<1x128xf32, #tpu.memory_space<vmem>>
    %dma_wait3A_152 = tpu.memref_squeeze %dma_wait3A_151 : memref<1x128xf32, #tpu.memory_space<vmem>> -> memref<128xf32, #tpu.memory_space<vmem>>
    %dma_wait3A_153 = arith.constant 0 : i32
    %dma_wait3A_154 = tpu.memref_slice %arg5[%dma_wait3A_148, %dma_wait3A_153] : memref<200x128xi32, #tpu.memory_space<vmem>> -> memref<1x128xi32, #tpu.memory_space<vmem>>
    %dma_wait3A_155 = tpu.memref_squeeze %dma_wait3A_154 : memref<1x128xi32, #tpu.memory_space<vmem>> -> memref<128xi32, #tpu.memory_space<vmem>>
    %dma_wait3A_156 = arith.constant 0 : i32
    %dma_wait3A_157 = tpu.memref_slice %arg2[%dma_wait3A_156] : memref<1048576xf32, #tpu.memory_space<hbm>> -> memref<1048576xf32, #tpu.memory_space<hbm>>
    tpu.wait_indirect_dma semaphore(%arg8 : memref<!tpu.dma_semaphore, #tpu.memory_space<semaphore_mem>>) src(%dma_wait3A_157 : memref<1048576xf32, #tpu.memory_space<hbm>>) dst(%dma_wait3A_152 : memref<128xf32, #tpu.memory_space<vmem>>)
    %dma_wait3A_158 = arith.constant 198 : i32
    %dma_wait3A_159 = arith.constant 198 : i32
    %dma_wait3A_160 = arith.constant 0 : i32
    %dma_wait3A_161 = tpu.memref_slice %arg6[%dma_wait3A_159, %dma_wait3A_160] : memref<200x128xf32, #tpu.memory_space<vmem>> -> memref<1x128xf32, #tpu.memory_space<vmem>>
    %dma_wait3A_162 = tpu.memref_squeeze %dma_wait3A_161 : memref<1x128xf32, #tpu.memory_space<vmem>> -> memref<128xf32, #tpu.memory_space<vmem>>
    %dma_wait3A_163 = arith.constant 0 : i32
    %dma_wait3A_164 = tpu.memref_slice %arg5[%dma_wait3A_158, %dma_wait3A_163] : memref<200x128xi32, #tpu.memory_space<vmem>> -> memref<1x128xi32, #tpu.memory_space<vmem>>
    %dma_wait3A_165 = tpu.memref_squeeze %dma_wait3A_164 : memref<1x128xi32, #tpu.memory_space<vmem>> -> memref<128xi32, #tpu.memory_space<vmem>>
    %dma_wait3A_166 = arith.constant 0 : i32
    %dma_wait3A_167 = tpu.memref_slice %arg2[%dma_wait3A_166] : memref<1048576xf32, #tpu.memory_space<hbm>> -> memref<1048576xf32, #tpu.memory_space<hbm>>
    tpu.wait_indirect_dma semaphore(%arg8 : memref<!tpu.dma_semaphore, #tpu.memory_space<semaphore_mem>>) src(%dma_wait3A_167 : memref<1048576xf32, #tpu.memory_space<hbm>>) dst(%dma_wait3A_162 : memref<128xf32, #tpu.memory_space<vmem>>)
    %dma_wait3A_168 = arith.constant 199 : i32
    %dma_wait3A_169 = arith.constant 199 : i32
    %dma_wait3A_170 = arith.constant 0 : i32
    %dma_wait3A_171 = tpu.memref_slice %arg6[%dma_wait3A_169, %dma_wait3A_170] : memref<200x128xf32, #tpu.memory_space<vmem>> -> memref<1x128xf32, #tpu.memory_space<vmem>>
    %dma_wait3A_172 = tpu.memref_squeeze %dma_wait3A_171 : memref<1x128xf32, #tpu.memory_space<vmem>> -> memref<128xf32, #tpu.memory_space<vmem>>
    %dma_wait3A_173 = arith.constant 0 : i32
    %dma_wait3A_174 = tpu.memref_slice %arg5[%dma_wait3A_168, %dma_wait3A_173] : memref<200x128xi32, #tpu.memory_space<vmem>> -> memref<1x128xi32, #tpu.memory_space<vmem>>
    %dma_wait3A_175 = tpu.memref_squeeze %dma_wait3A_174 : memref<1x128xi32, #tpu.memory_space<vmem>> -> memref<128xi32, #tpu.memory_space<vmem>>
    %dma_wait3A_176 = arith.constant 0 : i32
    %dma_wait3A_177 = tpu.memref_slice %arg2[%dma_wait3A_176] : memref<1048576xf32, #tpu.memory_space<hbm>> -> memref<1048576xf32, #tpu.memory_space<hbm>>
    tpu.wait_indirect_dma semaphore(%arg8 : memref<!tpu.dma_semaphore, #tpu.memory_space<semaphore_mem>>) src(%dma_wait3A_177 : memref<1048576xf32, #tpu.memory_space<hbm>>) dst(%dma_wait3A_172 : memref<128xf32, #tpu.memory_space<vmem>>)
    "tpu.region"() ({
      %run_scoped3A = tpu.sem_alloc : memref<!tpu.dma_semaphore, #tpu.memory_space<semaphore_mem>>
      %dma_start3A_178 = arith.constant 0 : i32
      %dma_start3A_179 = arith.constant 0 : i32
      %dma_start3A_180 = tpu.memref_slice %arg4[%add3A, %dma_start3A_178, %dma_start3A_179] : memref<32x200x128xf32, #tpu.memory_space<hbm>> -> memref<1x200x128xf32, #tpu.memory_space<hbm>>
      %dma_start3A_181 = tpu.memref_squeeze %dma_start3A_180 : memref<1x200x128xf32, #tpu.memory_space<hbm>> -> memref<200x128xf32, #tpu.memory_space<hbm>>
      %dma_start3A_182 = arith.constant 0 : i32
      %dma_start3A_183 = arith.constant 0 : i32
      %dma_start3A_184 = tpu.memref_slice %arg4[%add3A, %dma_start3A_182, %dma_start3A_183] : memref<32x200x128xf32, #tpu.memory_space<hbm>> -> memref<1x200x128xf32, #tpu.memory_space<hbm>>
      %dma_start3A_185 = tpu.memref_squeeze %dma_start3A_184 : memref<1x200x128xf32, #tpu.memory_space<hbm>> -> memref<200x128xf32, #tpu.memory_space<hbm>>
      tpu.enqueue_dma source(%arg6 : memref<200x128xf32, #tpu.memory_space<vmem>>) target(%dma_start3A_185 : memref<200x128xf32, #tpu.memory_space<hbm>>) target_semaphore(%run_scoped3A : memref<!tpu.dma_semaphore, #tpu.memory_space<semaphore_mem>>)
      %dma_wait3A_186 = arith.constant 0 : i32
      %dma_wait3A_187 = arith.constant 0 : i32
      %dma_wait3A_188 = tpu.memref_slice %arg4[%add3A, %dma_wait3A_186, %dma_wait3A_187] : memref<32x200x128xf32, #tpu.memory_space<hbm>> -> memref<1x200x128xf32, #tpu.memory_space<hbm>>
      %dma_wait3A_189 = tpu.memref_squeeze %dma_wait3A_188 : memref<1x200x128xf32, #tpu.memory_space<hbm>> -> memref<200x128xf32, #tpu.memory_space<hbm>>
      %dma_wait3A_190 = arith.constant 0 : i32
      %dma_wait3A_191 = arith.constant 0 : i32
      %dma_wait3A_192 = tpu.memref_slice %arg4[%add3A, %dma_wait3A_190, %dma_wait3A_191] : memref<32x200x128xf32, #tpu.memory_space<hbm>> -> memref<1x200x128xf32, #tpu.memory_space<hbm>>
      %dma_wait3A_193 = tpu.memref_squeeze %dma_wait3A_192 : memref<1x200x128xf32, #tpu.memory_space<hbm>> -> memref<200x128xf32, #tpu.memory_space<hbm>>
      tpu.wait_dma2 semaphore(%run_scoped3A : memref<!tpu.dma_semaphore, #tpu.memory_space<semaphore_mem>>) src(%arg6 : memref<200x128xf32, #tpu.memory_space<vmem>>) dst(%dma_wait3A_193 : memref<200x128xf32, #tpu.memory_space<hbm>>)
      tpu.yield
    }) : () -> ()
    return
  }
}

module attributes {stable_mosaic.version = 14 : i64} {
  func.func @_stage1_body(%arg0: i32, %arg1: memref<16x131072xf32, #tpu.memory_space<vmem>>, %arg2: memref<1x16xf32, #tpu.memory_space<smem>>, %arg3: memref<1xf32, #tpu.memory_space<smem>>, %arg4: memref<50x16384xi32, #tpu.memory_space<vmem>>, %arg5: memref<131072xf32, #tpu.memory_space<vmem>>, %arg6: memref<8192x128xi32, #tpu.memory_space<vmem>>) attributes {dimension_semantics = [#tpu.dimension_semantics<arbitrary>], iteration_bounds = array<i64: 8>, scalar_prefetch = 0 : i64, scratch_operands = 0 : i64, tpu.core_type = #tpu.core_type<tc>, window_params = [{transform_indices = @transform_0, window_bounds = array<i64: 16, 131072>}, {transform_indices = @transform_1, window_bounds = array<i64: 1, 16>}, {transform_indices = @transform_2, window_bounds = array<i64: 1>}, {pipeline_mode = #tpu.pipeline_mode<synchronous>, transform_indices = @transform_3, window_bounds = array<i64: 50, 16384>}, {transform_indices = @transform_4, window_bounds = array<i64: 131072>}, {pipeline_mode = #tpu.pipeline_mode<synchronous>, transform_indices = @transform_5, window_bounds = array<i64: 8192, 128>}]} {
    %get3A = arith.constant 0 : index
    %get3A_0 = arith.constant 0 : index
    %get3A_1 = vector.load %arg1[%get3A, %get3A_0] : memref<16x131072xf32, #tpu.memory_space<vmem>>, vector<16x131072xf32>
    %get3A_2 = arith.constant 0 : index
    %get3A_3 = arith.constant 0 : index
    %get3A_4 = memref.load %arg2[%get3A_2, %get3A_3] : memref<1x16xf32, #tpu.memory_space<smem>>
    %get3A_5 = arith.constant 0 : index
    %get3A_6 = arith.constant 1 : index
    %get3A_7 = memref.load %arg2[%get3A_5, %get3A_6] : memref<1x16xf32, #tpu.memory_space<smem>>
    %get3A_8 = arith.constant 0 : index
    %get3A_9 = arith.constant 2 : index
    %get3A_10 = memref.load %arg2[%get3A_8, %get3A_9] : memref<1x16xf32, #tpu.memory_space<smem>>
    %get3A_11 = arith.constant 0 : index
    %get3A_12 = arith.constant 3 : index
    %get3A_13 = memref.load %arg2[%get3A_11, %get3A_12] : memref<1x16xf32, #tpu.memory_space<smem>>
    %get3A_14 = arith.constant 0 : index
    %get3A_15 = arith.constant 4 : index
    %get3A_16 = memref.load %arg2[%get3A_14, %get3A_15] : memref<1x16xf32, #tpu.memory_space<smem>>
    %get3A_17 = arith.constant 0 : index
    %get3A_18 = arith.constant 5 : index
    %get3A_19 = memref.load %arg2[%get3A_17, %get3A_18] : memref<1x16xf32, #tpu.memory_space<smem>>
    %get3A_20 = arith.constant 0 : index
    %get3A_21 = arith.constant 6 : index
    %get3A_22 = memref.load %arg2[%get3A_20, %get3A_21] : memref<1x16xf32, #tpu.memory_space<smem>>
    %get3A_23 = arith.constant 0 : index
    %get3A_24 = arith.constant 7 : index
    %get3A_25 = memref.load %arg2[%get3A_23, %get3A_24] : memref<1x16xf32, #tpu.memory_space<smem>>
    %get3A_26 = arith.constant 0 : index
    %get3A_27 = arith.constant 8 : index
    %get3A_28 = memref.load %arg2[%get3A_26, %get3A_27] : memref<1x16xf32, #tpu.memory_space<smem>>
    %get3A_29 = arith.constant 0 : index
    %get3A_30 = arith.constant 9 : index
    %get3A_31 = memref.load %arg2[%get3A_29, %get3A_30] : memref<1x16xf32, #tpu.memory_space<smem>>
    %get3A_32 = arith.constant 0 : index
    %get3A_33 = arith.constant 10 : index
    %get3A_34 = memref.load %arg2[%get3A_32, %get3A_33] : memref<1x16xf32, #tpu.memory_space<smem>>
    %get3A_35 = arith.constant 0 : index
    %get3A_36 = arith.constant 11 : index
    %get3A_37 = memref.load %arg2[%get3A_35, %get3A_36] : memref<1x16xf32, #tpu.memory_space<smem>>
    %get3A_38 = arith.constant 0 : index
    %get3A_39 = arith.constant 12 : index
    %get3A_40 = memref.load %arg2[%get3A_38, %get3A_39] : memref<1x16xf32, #tpu.memory_space<smem>>
    %get3A_41 = arith.constant 0 : index
    %get3A_42 = arith.constant 13 : index
    %get3A_43 = memref.load %arg2[%get3A_41, %get3A_42] : memref<1x16xf32, #tpu.memory_space<smem>>
    %get3A_44 = arith.constant 0 : index
    %get3A_45 = arith.constant 14 : index
    %get3A_46 = memref.load %arg2[%get3A_44, %get3A_45] : memref<1x16xf32, #tpu.memory_space<smem>>
    %get3A_47 = arith.constant 0 : index
    %get3A_48 = arith.constant 15 : index
    %get3A_49 = memref.load %arg2[%get3A_47, %get3A_48] : memref<1x16xf32, #tpu.memory_space<smem>>
    %stack3A = vector.broadcast %get3A_4 : f32 to vector<1xf32>
    %stack3A_50 = vector.broadcast %get3A_7 : f32 to vector<1xf32>
    %stack3A_51 = vector.broadcast %get3A_10 : f32 to vector<1xf32>
    %stack3A_52 = vector.broadcast %get3A_13 : f32 to vector<1xf32>
    %stack3A_53 = vector.broadcast %get3A_16 : f32 to vector<1xf32>
    %stack3A_54 = vector.broadcast %get3A_19 : f32 to vector<1xf32>
    %stack3A_55 = vector.broadcast %get3A_22 : f32 to vector<1xf32>
    %stack3A_56 = vector.broadcast %get3A_25 : f32 to vector<1xf32>
    %stack3A_57 = vector.broadcast %get3A_28 : f32 to vector<1xf32>
    %stack3A_58 = vector.broadcast %get3A_31 : f32 to vector<1xf32>
    %stack3A_59 = vector.broadcast %get3A_34 : f32 to vector<1xf32>
    %stack3A_60 = vector.broadcast %get3A_37 : f32 to vector<1xf32>
    %stack3A_61 = vector.broadcast %get3A_40 : f32 to vector<1xf32>
    %stack3A_62 = vector.broadcast %get3A_43 : f32 to vector<1xf32>
    %stack3A_63 = vector.broadcast %get3A_46 : f32 to vector<1xf32>
    %stack3A_64 = vector.broadcast %get3A_49 : f32 to vector<1xf32>
    %stack3A_65 = tpu.concatenate %stack3A, %stack3A_50, %stack3A_51, %stack3A_52, %stack3A_53, %stack3A_54, %stack3A_55, %stack3A_56, %stack3A_57, %stack3A_58, %stack3A_59, %stack3A_60, %stack3A_61, %stack3A_62, %stack3A_63, %stack3A_64 in 0 : vector<1xf32>, vector<1xf32>, vector<1xf32>, vector<1xf32>, vector<1xf32>, vector<1xf32>, vector<1xf32>, vector<1xf32>, vector<1xf32>, vector<1xf32>, vector<1xf32>, vector<1xf32>, vector<1xf32>, vector<1xf32>, vector<1xf32>, vector<1xf32> -> vector<16xf32>
    %reshape3A = vector.shape_cast %stack3A_65 : vector<16xf32> to vector<1x16xf32>
    %dot_general3A = arith.constant dense<0.000000e+00> : vector<1x131072xf32>
    %dot_general3A_66 = tpu.matmul %reshape3A, %get3A_1, %dot_general3A {dimension_numbers = #tpu.dot_dimension_numbers<[1], [0], [0], [1], [0, 0, 1, 1], [], []>, transpose_lhs_hint = false} : vector<1x16xf32>, vector<16x131072xf32>, vector<1x131072xf32> -> vector<1x131072xf32>
    %get3A_67 = arith.constant 0 : index
    %get3A_68 = memref.load %arg3[%get3A_67] : memref<1xf32, #tpu.memory_space<smem>>
    %add3A = vector.broadcast %get3A_68 : f32 to vector<1x131072xf32>
    %add3A_69 = arith.addf %dot_general3A_66, %add3A : vector<1x131072xf32>
    %logistic3A = arith.negf %add3A_69 : vector<1x131072xf32>
    %logistic3A_70 = math.exp %logistic3A : vector<1x131072xf32>
    %logistic3A_71 = arith.constant 1.000000e+00 : f32
    %logistic3A_72 = vector.broadcast %logistic3A_71 : f32 to vector<1x131072xf32>
    %logistic3A_73 = arith.addf %logistic3A_72, %logistic3A_70 : vector<1x131072xf32>
    %logistic3A_74 = arith.divf %logistic3A_72, %logistic3A_73 : vector<1x131072xf32>
    %reshape3A_75 = vector.shape_cast %logistic3A_74 : vector<1x131072xf32> to vector<131072xf32>
    %swap3A = arith.constant 0 : index
    %swap3A_76 = vector.load %arg5[%swap3A] : memref<131072xf32, #tpu.memory_space<vmem>>, vector<131072xf32>
    tpu.vector_store %arg5[%swap3A], %reshape3A_75 {strides = array<i32>} : memref<131072xf32, #tpu.memory_space<vmem>>, vector<131072xf32>,
    %eq3A = arith.constant 0 : i32
    %eq3A_77 = arith.cmpi eq, %arg0, %eq3A : i32
    %convert_element_type3A = arith.extui %eq3A_77 : i1 to i32
    %cond3A = arith.constant 0 : i32
    %cond3A_78 = arith.cmpi ne, %convert_element_type3A, %cond3A : i32
    scf.if %cond3A_78 {
      %get3A_79 = arith.constant 0 : index
      %get3A_80 = arith.constant 0 : index
      %get3A_81 = vector.load %arg4[%get3A_79, %get3A_80] : memref<50x16384xi32, #tpu.memory_space<vmem>>, vector<50x16384xi32>
      %reshape3A_82 = vector.shape_cast %get3A_81 : vector<50x16384xi32> to vector<6400x128xi32>
      %swap3A_83 = arith.constant 0 : index
      %swap3A_84 = arith.constant 0 : index
      %swap3A_85 = vector.load %arg6[%swap3A_83, %swap3A_84] : memref<8192x128xi32, #tpu.memory_space<vmem>>, vector<6400x128xi32>
      tpu.vector_store %arg6[%swap3A_83, %swap3A_84], %reshape3A_82 {strides = array<i32>} : memref<8192x128xi32, #tpu.memory_space<vmem>>, vector<6400x128xi32>,
    } else {
    }
    return
  }
  func.func @transform_0(%arg0: i32) -> (i32, i32) {
    %c0_i32 = arith.constant 0 : i32
    %c0_i32_0 = arith.constant 0 : i32
    return %c0_i32, %arg0 : i32, i32
  }
  func.func @transform_1(%arg0: i32) -> (i32, i32) {
    %c0_i32 = arith.constant 0 : i32
    %c0_i32_0 = arith.constant 0 : i32
    %c0_i32_1 = arith.constant 0 : i32
    return %c0_i32, %c0_i32_0 : i32, i32
  }
  func.func @transform_2(%arg0: i32) -> i32 {
    %c0_i32 = arith.constant 0 : i32
    %c0_i32_0 = arith.constant 0 : i32
    return %c0_i32 : i32
  }
  func.func @transform_3(%arg0: i32) -> (i32, i32) {
    %c0_i32 = arith.constant 0 : i32
    %c0_i32_0 = arith.constant 0 : i32
    %c0_i32_1 = arith.constant 0 : i32
    return %c0_i32, %c0_i32_0 : i32, i32
  }
  func.func @transform_4(%arg0: i32) -> i32 {
    %c0_i32 = arith.constant 0 : i32
    return %arg0 : i32
  }
  func.func @transform_5(%arg0: i32) -> (i32, i32) {
    %c0_i32 = arith.constant 0 : i32
    %c0_i32_0 = arith.constant 0 : i32
    %c0_i32_1 = arith.constant 0 : i32
    return %c0_i32, %c0_i32_0 : i32, i32
  }
}

</mosaic_0001>

<sc_bundles>
// kernel: kernel.4.cloned.1.call-start
scs
__scs_entry_jumppad:
0x0: {  	(pc) =	sbr.rel $0x88, $3  }
0x1: {  	(tag) =	ssettag $0x0;
	lr =	simm.s32 $0x1  }
0x2: {  	[smem:$0x3F9D] =	sst lr;
	_ =	strace $0xD0000000  }
0x3: {  	_ = 	snop  }
0x4: {  	_ = 	snop  }
0x5: {  	_ = 	snop  }
0x6: {  	_ = 	snop  }
0x7: {  	_ = 	snop  }
__scs_overlays_trampoline_lowered:
0x8: {  	[smem:$0x3FAC] =	sst s0  }
0x9: {  	[smem:$0x3FAD] =	sst s1  }
0xa: {  	[smem:$0x3FAE] =	sst s2  }
0xb: {  	[smem:$0x3FAF] =	sst s3  }
0xc: {  	[smem:$0x3FB0] =	sst s4  }
0xd: {  	[smem:$0x3FB1] =	sst s5  }
0xe: {  	[smem:$0x3FB2] =	sst s6  }
0xf: {  	[smem:$0x3FB3] =	sst s7  }
0x10: {  	[smem:$0x3FB4] =	sst s8  }
0x11: {  	[smem:$0x3FB5] =	sst s9;
	s0 =	simm.s32 @!p0 $0x0  }
0x12: {  	s1 =	sld [smem:$0x3F9B];
	s0 =	simm.s32 @p0 $0x1  }
0x13: {  	[smem:$0x3FB6] =	sst s0;
	s0 =	simm.s32 @!p1 $0x0  }
0x14: {  	s2 =	sld [smem:$0x3F9A];
	s0 =	simm.s32 @p1 $0x1  }
0x15: {  	[smem:$0x3FB7] =	sst s0;
	s0 =	simm.s32 @!p2 $0x0  }
0x16: {  	s3 =	sld [smem:$0x3FDB];
	s0 =	simm.s32 @p2 $0x1  }
0x17: {  	s4 =	simm.s32 $0x1BF5;
	[smem:$0x3FB9] =	sst s0  }
0x18: {  	s0 =	sld [smem:$0x3F9C];
	_ =	swait.ge [sflag:s4], $0x0  }
0x19: {  	s7 =	sld [smem:$0x3F9D]  }
0x1a: {  	s8 =	sadd.s32 $0xFFFFE003, lr  }
0x1b: {  	s9 =	sadd.s32 $0xFFFFFEF7, lr;
	s5 =	simm.s32 $0xFFFFFFFF;
	p2 =	slt.u32 s8, $0xFFFFF086  }
0x1c: {  	p1 =	slt.u32 s9, $0xF7A;
	s5 =	simm.s32 @!p2 $0x0  }
0x1d: {  	s5 =	simm.s32 @p1 $0x1;
	p0 =	seq.s32 s7, s2  }
0x1e: {  	s7 =	smul.u32 @!p0 $0xF7A, s2;
	p2 =	seq.s32 @!p0 s5, $0x0  }
0x1f: {  	s9 =	smul.u32 $0xF7A, s1;
	s8 =	simm.s32 @!p0 $0x1BF5;
	p2 =	por !p2, p0  }
0x20: {  	[sflag:s8] =	ssyncset.s32 @!p0 $0xFFFFF086;
	s6 =	sadd.s32 @!p0 s3, s7;
	s7 =	simm.s32 @!p0 $0x108  }
0x21: {  	s3 =	sadd.s32 s3, s9;
	s6 =	sadd.s32 @!p0 $0x88, s6;
	s7 =	simm.s32 @p2 $0x1082  }
0x22: {  	[simem:s7], [sflag:s8] =	dma.local @!p0 [hbm:s6], $0xF7A  }
0x23: {  	s9 =	sor.u32 $0xD0000000, s2;
	s6 =	simm.s32 $0x108;
	_ =	swait.ge @!p0 [sflag:s8], $0x0  }
0x24: {  	s3 =	sadd.s32 $0x88, s3;
	s6 =	simm.s32 @!p1 $0x1082;
	[sflag:s4] =	ssyncset.s32 $0xFFFFF086  }
0x25: {  	[simem:s6], [sflag:s4] =	dma.local [hbm:s3], $0xF7A  }
0x26: {  	[smem:$0x3F9D] =	sst s1;
	(tag) =	ssettag s2;
	_ =	strace s9  }
0x27: {  	s1 =	sld [smem:$0x3FAD]  }
0x28: {  	s2 =	sld [smem:$0x3FAE]  }
0x29: {  	s4 =	sld [smem:$0x3FB0]  }
0x2a: {  	p0 =	seq.s32 s5, $0x0;
	s5 =	sld [smem:$0x3FB1]  }
0x2b: {  	s6 =	sld [smem:$0x3FB2]  }
0x2c: {  	s7 =	sld [smem:$0x3FB3]  }
0x2d: {  	s3 =	simm.s32 $0x108;
	s8 =	sld [smem:$0x3FB4]  }
0x2e: {  	s3 =	simm.s32 @!p0 $0x1082;
	s9 =	sld [smem:$0x3FB5]  }
0x2f: {  	lr =	sadd.s32 s0, s3;
	s0 =	sld [smem:$0x3FAC]  }
0x30: {  	s3 =	sld [smem:$0x3FAF]  }
0x31: {  	[smem:$0x3FB8] =	sst s10  }
0x32: {  	s10 =	sld [smem:$0x3FB6];
	_ =	sdelay $0x3  }
0x33: {  	p0 =	seq.s32 s10, $0x1;
	s10 =	sld [smem:$0x3FB8];
	_ =	sdelay $0x3  }
0x34: {  	[smem:$0x3FB8] =	sst s10  }
0x35: {  	s10 =	sld [smem:$0x3FB7];
	_ =	sdelay $0x3  }
0x36: {  	p1 =	seq.s32 s10, $0x1;
	s10 =	sld [smem:$0x3FB8];
	_ =	sdelay $0x3  }
0x37: {  	[smem:$0x3FB8] =	sst s10  }
0x38: {  	s10 =	sld [smem:$0x3FB9]  }
0x39: {  	_ = 	snop;
	(pc) =	sbr.ind lr, $3  }
0x3a: {  	_ = 	snop  }
0x3b: {  	_ = 	snop  }
0x3c: {  	p2 =	seq.s32 s10, $0x1;
	s10 =	sld [smem:$0x3FB8]  }
0x3d: {  	_ =	shalt  }
0x3e: {  	_ =	shalt  }
0x3f: {  	_ =	shalt  }
0x40: {  	_ =	shalt  }
0x41: {  	_ =	shalt  }
0x42: {  	_ =	shalt  }
0x43: {  	_ =	shalt  }
0x44: {  	_ =	shalt  }
0x45: {  	_ =	shalt  }
0x46: {  	_ =	shalt  }
0x47: {  	_ =	shalt  }
0x48: {  	_ =	shalt  }
0x49: {  	_ =	shalt  }
0x4a: {  	_ =	shalt  }
0x4b: {  	_ =	shalt  }
0x4c: {  	_ =	shalt  }
0x4d: {  	_ =	shalt  }
0x4e: {  	_ =	shalt  }
0x4f: {  	_ =	shalt  }
0x50: {  	_ =	shalt  }
0x51: {  	_ =	shalt  }
0x52: {  	_ =	shalt  }
0x53: {  	_ =	shalt  }
0x54: {  	_ =	shalt  }
0x55: {  	_ =	shalt  }
0x56: {  	_ =	shalt  }
0x57: {  	_ =	shalt  }
0x58: {  	_ =	shalt  }
0x59: {  	_ =	shalt  }
0x5a: {  	_ =	shalt  }
0x5b: {  	_ =	shalt  }
0x5c: {  	_ =	shalt  }
0x5d: {  	_ =	shalt  }
0x5e: {  	_ =	shalt  }
0x5f: {  	_ =	shalt  }
0x60: {  	_ =	shalt  }
0x61: {  	_ =	shalt  }
0x62: {  	_ =	shalt  }
0x63: {  	_ =	shalt  }
0x64: {  	_ =	shalt  }
0x65: {  	_ =	shalt  }
0x66: {  	_ =	shalt  }
0x67: {  	_ =	shalt  }
0x68: {  	_ =	shalt  }
0x69: {  	_ =	shalt  }
0x6a: {  	_ =	shalt  }
0x6b: {  	_ =	shalt  }
0x6c: {  	_ =	shalt  }
0x6d: {  	_ =	shalt  }
0x6e: {  	_ =	shalt  }
0x6f: {  	_ =	shalt  }
0x70: {  	_ =	shalt  }
0x71: {  	_ =	shalt  }
0x72: {  	_ =	shalt  }
0x73: {  	_ =	shalt  }
0x74: {  	_ =	shalt  }
0x75: {  	_ =	shalt  }
0x76: {  	_ =	shalt  }
0x77: {  	_ =	shalt  }
0x78: {  	_ =	shalt  }
0x79: {  	_ =	shalt  }
0x7a: {  	_ =	shalt  }
0x7b: {  	_ =	shalt  }
0x7c: {  	_ =	shalt  }
0x7d: {  	_ =	shalt  }
0x7e: {  	_ =	shalt  }
0x7f: {  	_ =	shalt  }
0x80: {  	_ =	shalt  }
0x81: {  	_ =	shalt  }
0x82: {  	_ =	shalt  }
0x83: {  	_ =	shalt  }
0x84: {  	_ =	shalt  }
0x85: {  	_ =	shalt  }
0x86: {  	_ =	shalt  }
0x87: {  	_ =	shalt  }
.Lfunc_end0:
.L_simem_size_0:
called_computation_lowered:
.L_overlay_start_0:
0x88: {  	s2 =	sld [smem:$0x3FD9]  }
0x89: {  	s3 =	sld [smem:$0x3FFE];
	_ =	sdelay $0x1  }
0x8a: {  	s1 =	srdreg.scid  }
0x8b: {  	s0 =	sand.u32 $0x1, s1  }
0x8c: {  	s17 =	sshll.u32 s0, $0xA;
	s2 =	sadd.s32 s3, s2  }
0x8d: {  	s2 =	sadd.s32 s2, s17  }
0x8e: {  	[smem:$0x3FC4] =	sst s2  }
0x8f: {  	_ = 	snop  }
0x90: {  	s2 =	sld [smem:$0x3FD0];
	(tm) =	ssettm $0x1  }
0x91: {  	s18 =	sld [smem:$0x3FFB];
	_ =	sdelay $0x3  }
0x92: {  	_ =	strace s18  }
0x93: {  	s3 =	sld [smem:$0x3FFC];
	_ =	sdelay $0x3  }
0x94: {  	_ =	strace s3  }
0x95: {  	s3 =	sld [smem:$0x3FFD];
	_ =	sdelay $0x3  }
0x96: {  	_ =	strace s3  }
0x97: {  	_ =	strace $0x8FFFFFFF  }
0x98: {  	s19 =	sld [smem:$0x3FDB];
	_ =	sdelay $0x1  }
0x99: {  	s4 =	simm.s32 $_scs_section_size  }
0x9a: {  	s5 =	simm.s32 $_size__tile_overlayer_lowered;
	s6 =	simm.s32 $_tile_overlayer_lowered  }
0x9b: {  	s22 =	simm.s32 $0x1BFF;
	s21 =	sshll.u32 s6, $0x1;
	s3 =	sadd.s32 s4, s19  }
0x9c: {  	s7 =	simm.s32 $0x0;
	s20 =	sshll.u32 s5, $0x1;
	s5 =	sadd.s32 s21, s3  }
0x9d: {  	[timem:s7], [sflag:s22] =	dma.local [hbm:s5], s20  }
0x9e: {  	_ =	swait.ge [sflag:s22], s20  }
0x9f: {  	s4 =	ssub.s32 $0x0, s20;
	[sflag:s22] =	ssyncset.done $0x0  }
0xa0: {  	[sflag:s22] =	ssyncadd.s32 s4;
	_ =	sdelay $0x1  }
0xa1: {  	s23 =	simm.s32 $0x1B8B  }
0xa2: {  	_ =	swait.ge [sflag:s23], $0x1  }
0xa3: {  	[sflag:s23] =	ssyncset.done $0x0  }
0xa4: {  	s25 =	simm.s32 $0x1B8E;
	s24 =	sld [smem:$0x3FFE];
	[sflag:s23] =	ssyncadd.s32 $0xFFFFFFFF  }
0xa5: {  	s26 =	simm.s32 $execute0_lowered;
	[smem:$0x3FD2] =	sst s25  }
0xa6: {  	s5 =	sshll.u32 s26, $0x1;
	_ =	strace $0x80000046;
	[dreg:$0x1] =	wrdreg $0xFFFFFFFF  }
0xa7: {  	s28 =	simm.s32 $_size_execute0_lowered;
	s3 =	sadd.s32 s3, s5;
	[dreg:$0x0] =	wrdreg $0x0  }
0xa8: {  	s5 =	sshll.u32 s28, $0x1;
	[dreg:$0x2] =	wrdreg s3  }
0xa9: {  	[dreg:$0x3] =	wrdreg s5  }
0xaa: {  	[dreg:$0x4] =	wrdreg $0xC0  }
0xab: {  	_ =	task [dreg:s7], $0x5FFFF  }
0xac: {  	[dreg:$0x1] =	wrdreg $0xFFFFFFFF  }
0xad: {  	[dreg:$0x0] =	wrdreg $0x60  }
0xae: {  	[dreg:$0x2] =	wrdreg s24  }
0xaf: {  	[dreg:$0x3] =	wrdreg s2  }
0xb0: {  	[dreg:$0x4] =	wrdreg $0xC8000  }
0xb1: {  	[dreg:$0x5] =	wrdreg $0x9  }
0xb2: {  	_ =	task.clear_ibuf [dreg:s7], $0x6FFFF;
	_ =	strace $0x90000046  }
0xb3: {  	s29 =	simm.s32 $0x9;
	_ =	strace $0x80000048  }
0xb4: {  	_ =	swait.ge [sflag:s29], $0x1  }
0xb5: {  	[sflag:s29] =	ssyncadd.s32 $0xFFFFFFFF  }
0xb6: {  	_ =	strace $0x90000048  }
0xb7: {  	_ =	sfence  }
0xb8: {  	s30 =	sld [smem:$0x0];
	_ =	sdelay $0x2  }
0xb9: {  	s31 =	sshll.u32 s1, $0xD;
	s1 =	sshrl.u32 s1, $0x2  }
0xba: {  	s3 =	sand.u32 $0x4000, s31;
	s1 =	sadd.s32 s1, s30  }
0xbb: {  	s0 =	sor.u32 s3, s0;
	s1 =	sshll.u32 s1, $0x11  }
0xbc: {  	s0 =	sor.u32 s1, s0  }
0xbd: {  	s0 =	sadd.s32 $0x8F2B, s0  }
0xbe: {  	[sflag:s0] =	ssyncadd.remote.s32 $0x1  }
0xbf: {  	_ =	sfence.sel $0xFFFF  }
0xc0: {  	[dreg:$0x0] =	wrdreg $0xFFFFFFFF;
	(pc) =	sbr.abs _section_cstart, $3  }
0xc1: {  	[dreg:$0x1] =	wrdreg $0xFFFFFFFF  }
0xc2: {  	_ =	task.clear_ibuf [dreg:s7], $0x2FFFF;
	_ =	strace $0x9FFFFFFF  }
0xc3: {  	(tm) =	ssettm $0x7FFFFFFF  }
tec
execute0_lowered:
.L_overlay_start_1:
0x0: {  	(tag) =	ssettag $0x1  }
0x1: {  	s4 =	rddreg [dreg:$0x0]  }
0x2: {  	s7 =	rddreg [dreg:$0x1];
	s0 =	stileid.u32  }
0x3: {  	s1 =	srdreg.scid;
	s2 =	rddreg [dreg:$0x2]  }
0x4: {  	s3 =	simm.s32 $0x0;
	s12 =	simm.s32 $0x80;
	s13 =	simm.s32 $0x6400  }
0x5: {  	s15 =	simm.s32 $0x100;
	s16 =	simm.s32 $0x6500;
	s17 =	simm.s32 $0x180  }
0x6: {  	s18 =	simm.s32 $0x6580;
	s19 =	simm.s32 $0x200;
	s20 =	simm.s32 $0x6600  }
0x7: {  	s21 =	simm.s32 $0x280;
	s22 =	simm.s32 $0x6680;
	s23 =	simm.s32 $0x300  }
0x8: {  	s24 =	simm.s32 $0x6700;
	s25 =	simm.s32 $0x380;
	s26 =	simm.s32 $0x6780  }
0x9: {  	s28 =	simm.s32 $0x0;
	s5 =	sand.u32 $0x1, s1;
	s6 =	sshll.u32 s0, $0x1  }
0xa: {  	[smem:$0x7FF] =	sst s3;
	s30 =	sshll.u32 s0, $0xD;
	s31 =	sshll.u32 s0, $0x10  }
0xb: {  	s10 =	sshll.u32 s0, $0x6;
	s6 =	sor.u32 s5, s6;
	s5 =	ssub.s32 $0x2, s5  }
0xc: {  	_ =	strace $0x80000047;
	s11 =	sadd.s32 s31, s2;
	s9 =	sshrl.u32 s5, $0x1  }
0xd: {  	s8 =	smul.u32 $0xC80, s6;
	s6 =	sadd.s32 s30, s4;
	s9 =	ssub.s32 s5, s9  }
0xe: {  	s5 =	sadd.s32 $0xE00, s6;
	s6 =	sor.u32 $0x1C02, s10;
	s10 =	simm.s32 $0x2  }
0xf: {  	s4 =	sadd.s32 s8, s4;
	s7 =	sadd.s32 s7, s8;
	s8 =	smax.u32 s9, $0x1  }
0x10: {  	s9 =	sshrl.u32 s11, $0x3;
	s11 =	simm.s32 $0x1;
	s4 =	sadd.s32 $0x20E00, s4  }
.LBB2_1:
0x11: {  	[tilespmem:s3], [sflag:$0x1] =	stream.linear.gather [hbm4b:s4+s3], $0x6400, $0x38;
	[tilespmem:$0x1C800] =	vst v63  }
0x12: {  	[spmem:s9], [sflag:s6] =	dma.local [hbm:s5], $0x2000  }
0x13: {  	_ =	swait.ge [sflag:s10], $0x2000  }
0x14: {  	[sflag:s10] =	ssyncset.done $0x0  }
0x15: {  	[sflag:s10] =	ssyncadd.s32 $0xFFFFE000  }
0x16: {  	_ =	swait.ge [sflag:s11], $0x6400  }
0x17: {  	[sflag:s11] =	ssyncset.done $0x0  }
0x18: {  	[sflag:s11] =	ssyncadd.s32 $0xFFFF9C00  }
0x19: {  	[bflag:$0x0] =	sbarrier.arrive $0xFFFF  }
0x1a: {  	[tilespmem:s13], [sflag:$0x1] =	stream.indirect.gather [spmem:s2], $0x1, s3, s12, $0xb8;
	[tilespmem:$0x1C800] =	vst v63  }
0x1b: {  	s0 =	simm.s32 $0x6480  }
0x1c: {  	[tilespmem:s0], [sflag:$0x1] =	stream.indirect.gather [spmem:s2], $0x1, s12, s12, $0xb8;
	[tilespmem:$0x1C800] =	vst v63  }
0x1d: {  	_ = 	snop  }
0x1e: {  	[tilespmem:s16], [sflag:$0x1] =	stream.indirect.gather [spmem:s2], $0x1, s15, s12, $0xb8;
	[tilespmem:$0x1C800] =	vst v63  }
0x1f: {  	_ = 	snop  }
0x20: {  	[tilespmem:s18], [sflag:$0x1] =	stream.indirect.gather [spmem:s2], $0x1, s17, s12, $0xb8;
	[tilespmem:$0x1C800] =	vst v63  }
0x21: {  	_ = 	snop  }
0x22: {  	[tilespmem:s20], [sflag:$0x1] =	stream.indirect.gather [spmem:s2], $0x1, s19, s12, $0xb8;
	[tilespmem:$0x1C800] =	vst v63  }
0x23: {  	_ = 	snop  }
0x24: {  	[tilespmem:s22], [sflag:$0x1] =	stream.indirect.gather [spmem:s2], $0x1, s21, s12, $0xb8;
	[tilespmem:$0x1C800] =	vst v63  }
0x25: {  	_ = 	snop  }
0x26: {  	[tilespmem:s24], [sflag:$0x1] =	stream.indirect.gather [spmem:s2], $0x1, s23, s12, $0xb8;
	[tilespmem:$0x1C800] =	vst v63  }
0x27: {  	_ = 	snop  }
0x28: {  	[tilespmem:s26], [sflag:$0x1] =	stream.indirect.gather [spmem:s2], $0x1, s25, s12, $0xb8;
	[tilespmem:$0x1C800] =	vst v63  }
0x29: {  	s29 =	simm.s32 $0x6800;
	s30 =	simm.s32 $0x400  }
0x2a: {  	[tilespmem:s29], [sflag:$0x1] =	stream.indirect.gather [spmem:s2], $0x1, s30, s12, $0xb8;
	[tilespmem:$0x1C800] =	vst v63  }
0x2b: {  	s29 =	simm.s32 $0x6880;
	s30 =	simm.s32 $0x480  }
0x2c: {  	[tilespmem:s29], [sflag:$0x1] =	stream.indirect.gather [spmem:s2], $0x1, s30, s12, $0xb8;
	[tilespmem:$0x1C800] =	vst v63  }
0x2d: {  	s29 =	simm.s32 $0x6900;
	s30 =	simm.s32 $0x500  }
0x2e: {  	[tilespmem:s29], [sflag:$0x1] =	stream.indirect.gather [spmem:s2], $0x1, s30, s12, $0xb8;
	[tilespmem:$0x1C800] =	vst v63  }
0x2f: {  	s29 =	simm.s32 $0x6980;
	s30 =	simm.s32 $0x580  }
0x30: {  	[tilespmem:s29], [sflag:$0x1] =	stream.indirect.gather [spmem:s2], $0x1, s30, s12, $0xb8;
	[tilespmem:$0x1C800] =	vst v63  }
0x31: {  	_ =	swait.ge [sflag:s11], $0x80  }
0x32: {  	[sflag:s11] =	ssyncset.done $0x0  }
0x33: {  	[sflag:s11] =	ssyncadd.s32 $0xFFFFFF80  }
0x34: {  	_ =	swait.ge [sflag:s11], $0x80  }
0x35: {  	[sflag:s11] =	ssyncset.done $0x0  }
0x36: {  	[sflag:s11] =	ssyncadd.s32 $0xFFFFFF80  }
0x37: {  	_ =	swait.ge [sflag:s11], $0x80  }
0x38: {  	[sflag:s11] =	ssyncset.done $0x0  }
0x39: {  	[sflag:s11] =	ssyncadd.s32 $0xFFFFFF80  }
0x3a: {  	_ =	swait.ge [sflag:s11], $0x80  }
0x3b: {  	s30 =	simm.s32 $0x1000;
	s29 =	simm.s32 $0x200;
	[sflag:s11] =	ssyncset.done $0x0  }
.LBB2_2:
0x3c: {  	s31 =	sadd.s32 $0x6800, s29  }
0x3d: {  	s1 =	sadd.s32 $0x400, s29;
	[sflag:s11] =	ssyncadd.s32 $0xFFFFFF80;
	s0 =	smov.u32 s30  }
0x3e: {  	[tilespmem:s31], [sflag:$0x1] =	stream.indirect.gather [spmem:s2], $0x1, s1, s12, $0xb8;
	[tilespmem:$0x1C800] =	vst v63  }
0x3f: {  	s14 =	sadd.s32 $0x480, s29;
	s1 =	sadd.s32 $0x800, s30;
	s31 =	sadd.s32 $0x6880, s29  }
0x40: {  	[tilespmem:s31], [sflag:$0x1] =	stream.indirect.gather [spmem:s2], $0x1, s14, s12, $0xb8;
	[tilespmem:$0x1C800] =	vst v63  }
0x41: {  	p0 =	sne.s32 s30, $0x17800;
	s30 =	sadd.s32 $0x500, s29;
	s14 =	sadd.s32 $0x6900, s29  }
0x42: {  	[tilespmem:s14], [sflag:$0x1] =	stream.indirect.gather [spmem:s2], $0x1, s30, s12, $0xb8;
	[tilespmem:$0x1C800] =	vst v63  }
0x43: {  	s14 =	sadd.s32 $0x6980, s29;
	s29 =	sadd.s32 $0x580, s29  }
0x44: {  	[tilespmem:s14], [sflag:$0x1] =	stream.indirect.gather [spmem:s2], $0x1, s29, s12, $0xb8;
	[tilespmem:$0x1C800] =	vst v63  }
0x45: {  	_ =	swait.ge [sflag:s11], $0x80  }
0x46: {  	[sflag:s11] =	ssyncset.done $0x0  }
0x47: {  	[sflag:s11] =	ssyncadd.s32 $0xFFFFFF80  }
0x48: {  	_ =	swait.ge [sflag:s11], $0x80  }
0x49: {  	[sflag:s11] =	ssyncset.done $0x0  }
0x4a: {  	[sflag:s11] =	ssyncadd.s32 $0xFFFFFF80  }
.Ltmp0:
0x4b: {  	_ =	swait.ge [sflag:s11], $0x80;
	(pc) =	sbr.rel @p0 .LBB2_2-.Ltmp0, $4  }
0x4c: {  	[sflag:s11] =	ssyncset.done $0x0  }
0x4d: {  	[sflag:s11] =	ssyncadd.s32 $0xFFFFFF80  }
0x4e: {  	_ =	swait.ge [sflag:s11], $0x80  }
0x4f: {  	s30 =	smov.u32 s1;
	s29 =	sshra.s32 s0, $0x2;
	[sflag:s11] =	ssyncset.done $0x0  }
0x50: {  	s0 =	sadd.s32 $0x6800, s29;
	s1 =	sadd.s32 $0x400, s29;
	[sflag:s11] =	ssyncadd.s32 $0xFFFFFF80  }
0x51: {  	[tilespmem:s0], [sflag:$0x1] =	stream.indirect.gather [spmem:s2], $0x1, s1, s12, $0xb8;
	[tilespmem:$0x1C800] =	vst v63  }
0x52: {  	s30 =	sadd.s32 $0x6880, s29;
	s31 =	sadd.s32 $0x480, s29  }
0x53: {  	[tilespmem:s30], [sflag:$0x1] =	stream.indirect.gather [spmem:s2], $0x1, s31, s12, $0xb8;
	[tilespmem:$0x1C800] =	vst v63  }
0x54: {  	s14 =	sadd.s32 $0x500, s29;
	s1 =	sadd.s32 $0x6900, s29  }
0x55: {  	[tilespmem:s1], [sflag:$0x1] =	stream.indirect.gather [spmem:s2], $0x1, s14, s12, $0xb8;
	[tilespmem:$0x1C800] =	vst v63  }
0x56: {  	s30 =	sadd.s32 $0x6980, s29;
	s31 =	sadd.s32 $0x580, s29  }
0x57: {  	[tilespmem:s30], [sflag:$0x1] =	stream.indirect.gather [spmem:s2], $0x1, s31, s12, $0xb8;
	[tilespmem:$0x1C800] =	vst v63  }
0x58: {  	_ =	swait.ge [sflag:s11], $0x80  }
0x59: {  	[sflag:s11] =	ssyncset.done $0x0  }
0x5a: {  	[sflag:s11] =	ssyncadd.s32 $0xFFFFFF80  }
0x5b: {  	_ =	swait.ge [sflag:s11], $0x80  }
0x5c: {  	[sflag:s11] =	ssyncset.done $0x0  }
0x5d: {  	[sflag:s11] =	ssyncadd.s32 $0xFFFFFF80  }
0x5e: {  	_ =	swait.ge [sflag:s11], $0x80  }
0x5f: {  	[sflag:s11] =	ssyncset.done $0x0  }
0x60: {  	[sflag:s11] =	ssyncadd.s32 $0xFFFFFF80  }
0x61: {  	_ =	swait.ge [sflag:s11], $0x80  }
0x62: {  	[sflag:s11] =	ssyncset.done $0x0  }
0x63: {  	[sflag:s11] =	ssyncadd.s32 $0xFFFFFF80  }
0x64: {  	_ =	swait.ge [sflag:s11], $0x80  }
0x65: {  	[sflag:s11] =	ssyncset.done $0x0  }
0x66: {  	[sflag:s11] =	ssyncadd.s32 $0xFFFFFF80  }
0x67: {  	_ =	swait.ge [sflag:s11], $0x80  }
0x68: {  	[sflag:s11] =	ssyncset.done $0x0  }
0x69: {  	[sflag:s11] =	ssyncadd.s32 $0xFFFFFF80  }
0x6a: {  	_ =	swait.ge [sflag:s11], $0x80  }
0x6b: {  	[sflag:s11] =	ssyncset.done $0x0  }
0x6c: {  	[sflag:s11] =	ssyncadd.s32 $0xFFFFFF80  }
0x6d: {  	_ =	swait.ge [sflag:s11], $0x80  }
0x6e: {  	[sflag:s11] =	ssyncset.done $0x0  }
0x6f: {  	[sflag:s11] =	ssyncadd.s32 $0xFFFFFF80  }
0x70: {  	_ =	swait.ge [sflag:s11], $0x80  }
0x71: {  	[sflag:s11] =	ssyncset.done $0x0  }
0x72: {  	[sflag:s11] =	ssyncadd.s32 $0xFFFFFF80  }
0x73: {  	_ =	swait.ge [sflag:s11], $0x80  }
0x74: {  	[sflag:s11] =	ssyncset.done $0x0  }
0x75: {  	[sflag:s11] =	ssyncadd.s32 $0xFFFFFF80  }
0x76: {  	_ =	swait.ge [sflag:s11], $0x80  }
0x77: {  	[sflag:s11] =	ssyncset.done $0x0  }
0x78: {  	[sflag:s11] =	ssyncadd.s32 $0xFFFFFF80  }
0x79: {  	s28 =	sadd.s32 $0x1, s28;
	_ =	swait.ge [sflag:s11], $0x80  }
0x7a: {  	p0 =	sne.s32 s28, s8;
	[sflag:s11] =	ssyncset.done $0x0  }
.Ltmp1:
0x7b: {  	[sflag:s11] =	ssyncadd.s32 $0xFFFFFF80;
	(pc) =	sbr.rel @p0 .LBB2_1-.Ltmp1, $4  }
0x7c: {  	[hbm4b:s7+s3] =	stream.linear.scatter [tilespmem:s13], [sflag:$0x2], $0x6400, $0x38;
	[tilespmem:$0x1C800] =	vst v63  }
0x7d: {  	_ =	swait.ge [sflag:s10], $0x6400  }
0x7e: {  	[sflag:s10] =	ssyncset.done $0x0  }
0x7f: {  	[sflag:s10] =	ssyncadd.s32 $0xFFFF9C00  }
0x80: {  	_ =	sfence.sel $0x180000  }
0x81: {  	[bflag:$0x0] =	sbarrier.arrive $0xFFFF  }
0x82: {  	_ =	strace $0x90000047  }
0x83: {  	s0 =	stileid.u32;
	[bflag:$0x2] =	sbarrier.arrive $0xFFFF  }
0x84: {  	p0 =	sne.s32 s0, $0x0;
	s0 =	rddreg [dreg:$0x3]  }
0x85: {  	s0 =	sadd.s32 @!p0 $0x100000, s0  }
0x86: {  	[sflag:s0] =	ssyncadd.tile.s32 @!p0 $0x1;
	_ =	shalt  }
.Lfunc_end2:
_tile_overlayer_lowered:
.L_overlay_start_2:
0x87: {  	(tag) =	ssettag $0x2  }
0x88: {  	s0 =	rddreg [dreg:$0x0];
	s2 =	stileid.u32  }
0x89: {  	s1 =	rddreg [dreg:$0x1];
	p0 =	sne.s32 s2, $0x0  }
0x8a: {  	s3 =	rddreg [dreg:$0x2];
	[bflag:$0x3] =	sbarrier.arrive $0xFFFF;
	s2 =	simm.s32 @!p0 $0x1C02  }
0x8b: {  	[timem:s3], [sflag:s2] =	dma.local @!p0 [hbm:s0], s1  }
0x8c: {  	s0 =	simm.s32 @!p0 $0x2  }
0x8d: {  	_ =	swait.ge @!p0 [sflag:s0], s1  }
0x8e: {  	s1 =	ssub.s32 @!p0 $0x0, s1;
	[sflag:s0] =	ssyncset.done @!p0 $0x0  }
0x8f: {  	[sflag:s0] =	ssyncadd.s32 @!p0 s1  }
0x90: {  	[bflag:$0x3] =	sbarrier.arrive $0xFFFF  }
0x91: {  	_ =	shalt  }

</sc_bundles>
